<compile_context>
chip_gen: v7x
topology: tpu7x:2x2x1
jax: 0.10.2.dev20260603
libtpu: 0.0.44.dev20260713+nightly
codegen_flags: <defaults>
</compile_context>

<pallas_src>
import functools

import jax
import jax.numpy as jnp
from jax import lax
from jax.experimental import pallas as pl
from jax.experimental.pallas import tpu as pltpu
from jax.experimental.pallas import tpu_sc as plsc

_B, _T, _V = 1024, 50, 1000
_VP = 1024
_TM = _T - 1
_TMP = 56
_NC, _NS = 2, 16
_NW = _NC * _NS
_BPW = _B // _NW
_LPW = _B // _NW


def _sc_body(tab_hbm, ids_hbm, len_hbm, out_hbm, lenout_hbm,
             idx_v, rows0, rows1, len_v, g0, g1, s0, s1):
    sid = lax.axis_index("s")
    wid = sid * _NC + lax.axis_index("c")
    bat_base = wid * _BPW

    lbase = wid * _LPW
    pltpu.sync_copy(len_hbm.at[pl.ds(lbase, _LPW)], len_v)
    for i in range(_LPW // 16):
        len_v[pl.ds(i * 16, 16)] = len_v[pl.ds(i * 16, 16)] - 1
    pltpu.sync_copy(len_v, lenout_hbm.at[pl.ds(lbase, _LPW)])

    pltpu.sync_copy(ids_hbm.at[wid], idx_v)

    rows = (rows0, rows1)
    gsem = (g0, g1)
    ssem = (s0, s1)

    def gather(buf, b, sem):
        return pltpu.make_async_copy(tab_hbm.at[idx_v.at[b]], buf, sem)

    def store(buf, b, sem):
        return pltpu.make_async_copy(buf, out_hbm.at[bat_base + b], sem)

    gather(rows0, 0, g0).start()
    gather(rows1, 1, g1).start()

    @pl.loop(0, _BPW, step=2)
    def _chunks(g):
        for t in range(2):
            b = g + t
            gather(rows[t], b, gsem[t]).wait()
            store(rows[t], b, ssem[t]).start()

            @pl.when(b + 2 < _BPW)
            def _():
                store(rows[t], b, ssem[t]).wait()
                gather(rows[t], b + 2, gsem[t]).start()

    for t in range(2):
        store(rows[t], _BPW - 2 + t, ssem[t]).wait()


_sc_gather = functools.partial(
    pl.kernel,
    out_type=[
        jax.ShapeDtypeStruct((_B, _TMP, _VP), jnp.float32),
        jax.ShapeDtypeStruct((_B,), jnp.int32),
    ],
    mesh=plsc.VectorSubcoreMesh(core_axis_name="c", subcore_axis_name="s"),
    scratch_types=[
        pltpu.VMEM((_BPW, _TMP), jnp.int32),
        pltpu.VMEM((_TMP, _VP), jnp.float32),
        pltpu.VMEM((_TMP, _VP), jnp.float32),
        pltpu.VMEM((_LPW,), jnp.int32),
        pltpu.SemaphoreType.DMA,
        pltpu.SemaphoreType.DMA,
        pltpu.SemaphoreType.DMA,
        pltpu.SemaphoreType.DMA,
    ],
)(_sc_body)


@jax.jit
def kernel(target_text_ids, target_length, Q_star):
    ids = jnp.pad(target_text_ids[:, 1:], ((0, 0), (0, _TMP - _TM)))
    ids = ids.reshape(_NW, _BPW, _TMP).astype(jnp.int32)
    lens = target_length.astype(jnp.int32)
    table = jnp.pad(Q_star, ((0, 0), (0, _VP - _V)))
    out_pad, lenout = _sc_gather(table, ids, lens)
    return out_pad[:, :_TM, :_V], lenout

# --- scband reference (transcript-rebuilt; emitter-appended) ---
"""Pipeline reference for scband-seq2-seq-attn-target3-60988535603373 (READ-ONLY COPY).

The authoritative reference and input builder live on the scoring server;
editing this copy changes nothing except your own understanding.
"""

import jax, jax.numpy as jnp
import numpy as np

B, T, V = 1024, 50, 1000

def setup_inputs(seed: int = 0) -> dict:
    key = jax.random.key(seed)
    k1, k2, k3 = jax.random.split(key, 3)
    target_text_ids = jax.random.randint(k1, (B, T), 0, V)
    target_length = jax.random.randint(k2, (B,), 2, T)
    # Q_star_list materialized as a dense lookup table: one row of logits (over
    # the vocab) per token id, mirroring torch.load('...Q_star_list.pth').
    Q_star = jax.random.normal(k3, (V, V), dtype=jnp.float32)
    return {"target_text_ids": target_text_ids, "target_length": target_length, "Q_star": Q_star}

def reference(target_text_ids, target_length, Q_star):
    # For each target token (dropping BOS at position 0), index_Q_star_list
    # retrieves the precomputed Q-star logits; the per-step stack + batch stack
    # is equivalent to a batched gather over the table rows.
    ids = target_text_ids[:, 1:]                      # [B, T-1]
    stacked_logits = jnp.take(Q_star, ids, axis=0)    # [B, T-1, V]
    return (stacked_logits, target_length - 1)

if __name__ == "__main__":
    import jax
    _d = setup_inputs()
    print(jax.jit(kernel)(*tuple(_d.values())))

</pallas_src>

<mosaic_0001>
#map = affine_map<(d0, d1) -> (0, 0)>
#map1 = affine_map<(d0, d1) -> (0, 0, 0)>
#map2 = affine_map<(d0, d1) -> (0)>
module attributes {stable_mosaic.version = 14 : i64} {
  func.func @_sc_body(%arg0: i32, %arg1: i32, %arg2: memref<1000x1024xf32, #tpu.memory_space<hbm>>, %arg3: memref<32x32x56xi32, #tpu.memory_space<hbm>>, %arg4: memref<1024xi32, #tpu.memory_space<hbm>>, %arg5: memref<1024x56x1024xf32, #tpu.memory_space<hbm>>, %arg6: memref<1024xi32, #tpu.memory_space<hbm>>, %arg7: memref<32x56xi32, #tpu.memory_space<vmem>>, %arg8: memref<56x1024xf32, #tpu.memory_space<vmem>>, %arg9: memref<56x1024xf32, #tpu.memory_space<vmem>>, %arg10: memref<32xi32, #tpu.memory_space<vmem>>, %arg11: memref<!tpu.dma_semaphore, #tpu.memory_space<semaphore_mem>>, %arg12: memref<!tpu.dma_semaphore, #tpu.memory_space<semaphore_mem>>, %arg13: memref<!tpu.dma_semaphore, #tpu.memory_space<semaphore_mem>>, %arg14: memref<!tpu.dma_semaphore, #tpu.memory_space<semaphore_mem>>) attributes {dimension_semantics = [#tpu.dimension_semantics<core_parallel>, #tpu.dimension_semantics<subcore_parallel>], iteration_bounds = array<i64: 2, 16>, scalar_prefetch = 0 : i64, scratch_operands = 8 : i64, tpu.core_type = #tpu.core_type<sc_vector_subcore>, window_params = [{transform_indices = #map}, {transform_indices = #map1}, {transform_indices = #map2}, {transform_indices = #map1}, {transform_indices = #map2}]} {
    %mul3A = arith.constant 2 : i32
    %mul3A_0 = arith.muli %arg1, %mul3A : i32
    %add3A = arith.addi %mul3A_0, %arg0 : i32
    %mul3A_1 = arith.constant 32 : i32
    %mul3A_2 = arith.muli %add3A, %mul3A_1 : i32
    %mul3A_3 = arith.constant 32 : i32
    %mul3A_4 = arith.muli %add3A, %mul3A_3 : i32
    "tpu.region"() ({
      %run_scoped3A = tpu.sem_alloc : memref<!tpu.dma_semaphore, #tpu.memory_space<semaphore_mem>>
      %dma_start3A_58 = tpu.memref_slice %arg4[%mul3A_4] : memref<1024xi32, #tpu.memory_space<hbm>> -> memref<32xi32, #tpu.memory_space<hbm>>
      %dma_start3A_59 = tpu.memref_slice %arg4[%mul3A_4] : memref<1024xi32, #tpu.memory_space<hbm>> -> memref<32xi32, #tpu.memory_space<hbm>>
      tpu.enqueue_dma source(%dma_start3A_59 : memref<32xi32, #tpu.memory_space<hbm>>) target(%arg10 : memref<32xi32, #tpu.memory_space<vmem>>) target_semaphore(%run_scoped3A : memref<!tpu.dma_semaphore, #tpu.memory_space<semaphore_mem>>)
      %dma_wait3A_60 = tpu.memref_slice %arg4[%mul3A_4] : memref<1024xi32, #tpu.memory_space<hbm>> -> memref<32xi32, #tpu.memory_space<hbm>>
      %dma_wait3A_61 = tpu.memref_slice %arg4[%mul3A_4] : memref<1024xi32, #tpu.memory_space<hbm>> -> memref<32xi32, #tpu.memory_space<hbm>>
      tpu.wait_dma2 semaphore(%run_scoped3A : memref<!tpu.dma_semaphore, #tpu.memory_space<semaphore_mem>>) src(%dma_wait3A_61 : memref<32xi32, #tpu.memory_space<hbm>>) dst(%arg10 : memref<32xi32, #tpu.memory_space<vmem>>)
      tpu.yield
    }) : () -> ()
    %get3A = arith.constant 0 : index
    %get3A_5 = tpu.vector_load %arg10[%get3A] {strides = array<i32>} : memref<32xi32, #tpu.memory_space<vmem>>, vector<16xi32>,
    %get3A_6 = vector.shape_cast %get3A_5 : vector<16xi32> to vector<16xi32>
    %sub3A = arith.constant 1 : i32
    %sub3A_7 = vector.broadcast %sub3A : i32 to vector<16xi32>
    %sub3A_8 = arith.subi %get3A_6, %sub3A_7 : vector<16xi32>
    %swap3A = arith.constant 0 : index
    %swap3A_9 = tpu.vector_load %arg10[%swap3A] {strides = array<i32>} : memref<32xi32, #tpu.memory_space<vmem>>, vector<16xi32>,
    %swap3A_10 = vector.shape_cast %swap3A_9 : vector<16xi32> to vector<16xi32>
    %swap3A_11 = vector.shape_cast %sub3A_8 : vector<16xi32> to vector<16xi32>
    tpu.vector_store %arg10[%swap3A], %swap3A_11 {strides = array<i32>} : memref<32xi32, #tpu.memory_space<vmem>>, vector<16xi32>,
    %get3A_12 = arith.constant 16 : index
    %get3A_13 = tpu.vector_load %arg10[%get3A_12] {strides = array<i32>} : memref<32xi32, #tpu.memory_space<vmem>>, vector<16xi32>,
    %get3A_14 = vector.shape_cast %get3A_13 : vector<16xi32> to vector<16xi32>
    %sub3A_15 = arith.constant 1 : i32
    %sub3A_16 = vector.broadcast %sub3A_15 : i32 to vector<16xi32>
    %sub3A_17 = arith.subi %get3A_14, %sub3A_16 : vector<16xi32>
    %swap3A_18 = arith.constant 16 : index
    %swap3A_19 = tpu.vector_load %arg10[%swap3A_18] {strides = array<i32>} : memref<32xi32, #tpu.memory_space<vmem>>, vector<16xi32>,
    %swap3A_20 = vector.shape_cast %swap3A_19 : vector<16xi32> to vector<16xi32>
    %swap3A_21 = vector.shape_cast %sub3A_17 : vector<16xi32> to vector<16xi32>
    tpu.vector_store %arg10[%swap3A_18], %swap3A_21 {strides = array<i32>} : memref<32xi32, #tpu.memory_space<vmem>>, vector<16xi32>,
    "tpu.region"() ({
      %run_scoped3A = tpu.sem_alloc : memref<!tpu.dma_semaphore, #tpu.memory_space<semaphore_mem>>
      %dma_start3A_58 = tpu.memref_slice %arg6[%mul3A_4] : memref<1024xi32, #tpu.memory_space<hbm>> -> memref<32xi32, #tpu.memory_space<hbm>>
      %dma_start3A_59 = tpu.memref_slice %arg6[%mul3A_4] : memref<1024xi32, #tpu.memory_space<hbm>> -> memref<32xi32, #tpu.memory_space<hbm>>
      tpu.enqueue_dma source(%arg10 : memref<32xi32, #tpu.memory_space<vmem>>) target(%dma_start3A_59 : memref<32xi32, #tpu.memory_space<hbm>>) target_semaphore(%run_scoped3A : memref<!tpu.dma_semaphore, #tpu.memory_space<semaphore_mem>>)
      %dma_wait3A_60 = tpu.memref_slice %arg6[%mul3A_4] : memref<1024xi32, #tpu.memory_space<hbm>> -> memref<32xi32, #tpu.memory_space<hbm>>
      %dma_wait3A_61 = tpu.memref_slice %arg6[%mul3A_4] : memref<1024xi32, #tpu.memory_space<hbm>> -> memref<32xi32, #tpu.memory_space<hbm>>
      tpu.wait_dma2 semaphore(%run_scoped3A : memref<!tpu.dma_semaphore, #tpu.memory_space<semaphore_mem>>) src(%arg10 : memref<32xi32, #tpu.memory_space<vmem>>) dst(%dma_wait3A_61 : memref<32xi32, #tpu.memory_space<hbm>>)
      tpu.yield
    }) : () -> ()
    "tpu.region"() ({
      %run_scoped3A = tpu.sem_alloc : memref<!tpu.dma_semaphore, #tpu.memory_space<semaphore_mem>>
      %dma_start3A_58 = arith.constant 0 : i32
      %dma_start3A_59 = arith.constant 0 : i32
      %dma_start3A_60 = tpu.memref_slice %arg3[%add3A, %dma_start3A_58, %dma_start3A_59] : memref<32x32x56xi32, #tpu.memory_space<hbm>> -> memref<1x32x56xi32, #tpu.memory_space<hbm>>
      %dma_start3A_61 = tpu.memref_squeeze %dma_start3A_60 : memref<1x32x56xi32, #tpu.memory_space<hbm>> -> memref<32x56xi32, #tpu.memory_space<hbm>>
      %dma_start3A_62 = arith.constant 0 : i32
      %dma_start3A_63 = arith.constant 0 : i32
      %dma_start3A_64 = tpu.memref_slice %arg3[%add3A, %dma_start3A_62, %dma_start3A_63] : memref<32x32x56xi32, #tpu.memory_space<hbm>> -> memref<1x32x56xi32, #tpu.memory_space<hbm>>
      %dma_start3A_65 = tpu.memref_squeeze %dma_start3A_64 : memref<1x32x56xi32, #tpu.memory_space<hbm>> -> memref<32x56xi32, #tpu.memory_space<hbm>>
      tpu.enqueue_dma source(%dma_start3A_65 : memref<32x56xi32, #tpu.memory_space<hbm>>) target(%arg7 : memref<32x56xi32, #tpu.memory_space<vmem>>) target_semaphore(%run_scoped3A : memref<!tpu.dma_semaphore, #tpu.memory_space<semaphore_mem>>)
      %dma_wait3A_66 = arith.constant 0 : i32
      %dma_wait3A_67 = arith.constant 0 : i32
      %dma_wait3A_68 = tpu.memref_slice %arg3[%add3A, %dma_wait3A_66, %dma_wait3A_67] : memref<32x32x56xi32, #tpu.memory_space<hbm>> -> memref<1x32x56xi32, #tpu.memory_space<hbm>>
      %dma_wait3A_69 = tpu.memref_squeeze %dma_wait3A_68 : memref<1x32x56xi32, #tpu.memory_space<hbm>> -> memref<32x56xi32, #tpu.memory_space<hbm>>
      %dma_wait3A_70 = arith.constant 0 : i32
      %dma_wait3A_71 = arith.constant 0 : i32
      %dma_wait3A_72 = tpu.memref_slice %arg3[%add3A, %dma_wait3A_70, %dma_wait3A_71] : memref<32x32x56xi32, #tpu.memory_space<hbm>> -> memref<1x32x56xi32, #tpu.memory_space<hbm>>
      %dma_wait3A_73 = tpu.memref_squeeze %dma_wait3A_72 : memref<1x32x56xi32, #tpu.memory_space<hbm>> -> memref<32x56xi32, #tpu.memory_space<hbm>>
      tpu.wait_dma2 semaphore(%run_scoped3A : memref<!tpu.dma_semaphore, #tpu.memory_space<semaphore_mem>>) src(%dma_wait3A_73 : memref<32x56xi32, #tpu.memory_space<hbm>>) dst(%arg7 : memref<32x56xi32, #tpu.memory_space<vmem>>)
      tpu.yield
    }) : () -> ()
    %dma_start3A = arith.constant 0 : i32
    %dma_start3A_22 = arith.constant 0 : i32
    %dma_start3A_23 = tpu.memref_slice %arg7[%dma_start3A, %dma_start3A_22] : memref<32x56xi32, #tpu.memory_space<vmem>> -> memref<1x56xi32, #tpu.memory_space<vmem>>
    %dma_start3A_24 = tpu.memref_squeeze %dma_start3A_23 : memref<1x56xi32, #tpu.memory_space<vmem>> -> memref<56xi32, #tpu.memory_space<vmem>>
    %dma_start3A_25 = arith.constant 0 : i32
    %dma_start3A_26 = arith.constant 0 : i32
    %dma_start3A_27 = tpu.memref_slice %arg2[%dma_start3A_25, %dma_start3A_26] : memref<1000x1024xf32, #tpu.memory_space<hbm>> -> memref<1000x1024xf32, #tpu.memory_space<hbm>>
    tpu.enqueue_indirect_dma source(%dma_start3A_27 : memref<1000x1024xf32, #tpu.memory_space<hbm>>) target(%arg8 : memref<56x1024xf32, #tpu.memory_space<vmem>>) offsets(%dma_start3A_24 : memref<56xi32, #tpu.memory_space<vmem>>) semaphore(%arg11 : memref<!tpu.dma_semaphore, #tpu.memory_space<semaphore_mem>>)
    %dma_start3A_28 = arith.constant 1 : i32
    %dma_start3A_29 = arith.constant 0 : i32
    %dma_start3A_30 = tpu.memref_slice %arg7[%dma_start3A_28, %dma_start3A_29] : memref<32x56xi32, #tpu.memory_space<vmem>> -> memref<1x56xi32, #tpu.memory_space<vmem>>
    %dma_start3A_31 = tpu.memref_squeeze %dma_start3A_30 : memref<1x56xi32, #tpu.memory_space<vmem>> -> memref<56xi32, #tpu.memory_space<vmem>>
    %dma_start3A_32 = arith.constant 0 : i32
    %dma_start3A_33 = arith.constant 0 : i32
    %dma_start3A_34 = tpu.memref_slice %arg2[%dma_start3A_32, %dma_start3A_33] : memref<1000x1024xf32, #tpu.memory_space<hbm>> -> memref<1000x1024xf32, #tpu.memory_space<hbm>>
    tpu.enqueue_indirect_dma source(%dma_start3A_34 : memref<1000x1024xf32, #tpu.memory_space<hbm>>) target(%arg9 : memref<56x1024xf32, #tpu.memory_space<vmem>>) offsets(%dma_start3A_31 : memref<56xi32, #tpu.memory_space<vmem>>) semaphore(%arg12 : memref<!tpu.dma_semaphore, #tpu.memory_space<semaphore_mem>>)
    %scan3A = arith.constant 0 : i32
    %scan3A_35 = arith.constant 16 : i32
    %scan3A_36 = arith.addi %scan3A, %scan3A_35 : i32
    %scan3A_37 = arith.constant 1 : i32
    scf.for %scan3A_58 = %scan3A to %scan3A_36 step %scan3A_37  : i32 {
      %mul3A_59 = arith.constant 2 : i32
      %mul3A_60 = arith.muli %scan3A_58, %mul3A_59 : i32
      %add3A_61 = arith.constant 0 : i32
      %add3A_62 = arith.addi %add3A_61, %mul3A_60 : i32
      %add3A_63 = arith.constant 0 : i32
      %add3A_64 = arith.addi %add3A_62, %add3A_63 : i32
      %dma_wait3A_65 = arith.constant 0 : i32
      %dma_wait3A_66 = tpu.memref_slice %arg7[%add3A_64, %dma_wait3A_65] : memref<32x56xi32, #tpu.memory_space<vmem>> -> memref<1x56xi32, #tpu.memory_space<vmem>>
      %dma_wait3A_67 = tpu.memref_squeeze %dma_wait3A_66 : memref<1x56xi32, #tpu.memory_space<vmem>> -> memref<56xi32, #tpu.memory_space<vmem>>
      %dma_wait3A_68 = arith.constant 0 : i32
      %dma_wait3A_69 = arith.constant 0 : i32
      %dma_wait3A_70 = tpu.memref_slice %arg2[%dma_wait3A_68, %dma_wait3A_69] : memref<1000x1024xf32, #tpu.memory_space<hbm>> -> memref<1000x1024xf32, #tpu.memory_space<hbm>>
      tpu.wait_indirect_dma semaphore(%arg11 : memref<!tpu.dma_semaphore, #tpu.memory_space<semaphore_mem>>) src(%dma_wait3A_70 : memref<1000x1024xf32, #tpu.memory_space<hbm>>) dst(%arg8 : memref<56x1024xf32, #tpu.memory_space<vmem>>)
      %add3A_71 = arith.addi %mul3A_2, %add3A_64 : i32
      %dma_start3A_72 = arith.constant 0 : i32
      %dma_start3A_73 = arith.constant 0 : i32
      %dma_start3A_74 = tpu.memref_slice %arg5[%add3A_71, %dma_start3A_72, %dma_start3A_73] : memref<1024x56x1024xf32, #tpu.memory_space<hbm>> -> memref<1x56x1024xf32, #tpu.memory_space<hbm>>
      %dma_start3A_75 = tpu.memref_squeeze %dma_start3A_74 : memref<1x56x1024xf32, #tpu.memory_space<hbm>> -> memref<56x1024xf32, #tpu.memory_space<hbm>>
      %dma_start3A_76 = arith.constant 0 : i32
      %dma_start3A_77 = arith.constant 0 : i32
      %dma_start3A_78 = tpu.memref_slice %arg5[%add3A_71, %dma_start3A_76, %dma_start3A_77] : memref<1024x56x1024xf32, #tpu.memory_space<hbm>> -> memref<1x56x1024xf32, #tpu.memory_space<hbm>>
      %dma_start3A_79 = tpu.memref_squeeze %dma_start3A_78 : memref<1x56x1024xf32, #tpu.memory_space<hbm>> -> memref<56x1024xf32, #tpu.memory_space<hbm>>
      tpu.enqueue_dma source(%arg8 : memref<56x1024xf32, #tpu.memory_space<vmem>>) target(%dma_start3A_79 : memref<56x1024xf32, #tpu.memory_space<hbm>>) target_semaphore(%arg13 : memref<!tpu.dma_semaphore, #tpu.memory_space<semaphore_mem>>)
      %add3A_80 = arith.constant 2 : i32
      %add3A_81 = arith.addi %add3A_64, %add3A_80 : i32
      %lt3A = arith.constant 32 : i32
      %lt3A_82 = arith.cmpi slt, %add3A_81, %lt3A : i32
      %convert_element_type3A = arith.extui %lt3A_82 : i1 to i32
      %cond3A = arith.constant 0 : i32
      %cond3A_83 = arith.cmpi ne, %convert_element_type3A, %cond3A : i32
      scf.if %cond3A_83 {
        %add3A_108 = arith.addi %mul3A_2, %add3A_64 : i32
        %dma_wait3A_109 = arith.constant 0 : i32
        %dma_wait3A_110 = arith.constant 0 : i32
        %dma_wait3A_111 = tpu.memref_slice %arg5[%add3A_108, %dma_wait3A_109, %dma_wait3A_110] : memref<1024x56x1024xf32, #tpu.memory_space<hbm>> -> memref<1x56x1024xf32, #tpu.memory_space<hbm>>
        %dma_wait3A_112 = tpu.memref_squeeze %dma_wait3A_111 : memref<1x56x1024xf32, #tpu.memory_space<hbm>> -> memref<56x1024xf32, #tpu.memory_space<hbm>>
        %dma_wait3A_113 = arith.constant 0 : i32
        %dma_wait3A_114 = arith.constant 0 : i32
        %dma_wait3A_115 = tpu.memref_slice %arg5[%add3A_108, %dma_wait3A_113, %dma_wait3A_114] : memref<1024x56x1024xf32, #tpu.memory_space<hbm>> -> memref<1x56x1024xf32, #tpu.memory_space<hbm>>
        %dma_wait3A_116 = tpu.memref_squeeze %dma_wait3A_115 : memref<1x56x1024xf32, #tpu.memory_space<hbm>> -> memref<56x1024xf32, #tpu.memory_space<hbm>>
        tpu.wait_dma2 semaphore(%arg13 : memref<!tpu.dma_semaphore, #tpu.memory_space<semaphore_mem>>) src(%arg8 : memref<56x1024xf32, #tpu.memory_space<vmem>>) dst(%dma_wait3A_116 : memref<56x1024xf32, #tpu.memory_space<hbm>>)
        %add3A_117 = arith.constant 2 : i32
        %add3A_118 = arith.addi %add3A_64, %add3A_117 : i32
        %dma_start3A_119 = arith.constant 0 : i32
        %dma_start3A_120 = tpu.memref_slice %arg7[%add3A_118, %dma_start3A_119] : memref<32x56xi32, #tpu.memory_space<vmem>> -> memref<1x56xi32, #tpu.memory_space<vmem>>
        %dma_start3A_121 = tpu.memref_squeeze %dma_start3A_120 : memref<1x56xi32, #tpu.memory_space<vmem>> -> memref<56xi32, #tpu.memory_space<vmem>>
        %dma_start3A_122 = arith.constant 0 : i32
        %dma_start3A_123 = arith.constant 0 : i32
        %dma_start3A_124 = tpu.memref_slice %arg2[%dma_start3A_122, %dma_start3A_123] : memref<1000x1024xf32, #tpu.memory_space<hbm>> -> memref<1000x1024xf32, #tpu.memory_space<hbm>>
        tpu.enqueue_indirect_dma source(%dma_start3A_124 : memref<1000x1024xf32, #tpu.memory_space<hbm>>) target(%arg8 : memref<56x1024xf32, #tpu.memory_space<vmem>>) offsets(%dma_start3A_121 : memref<56xi32, #tpu.memory_space<vmem>>) semaphore(%arg11 : memref<!tpu.dma_semaphore, #tpu.memory_space<semaphore_mem>>)
      } else {
      }
      %add3A_84 = arith.constant 1 : i32
      %add3A_85 = arith.addi %add3A_62, %add3A_84 : i32
      %dma_wait3A_86 = arith.constant 0 : i32
      %dma_wait3A_87 = tpu.memref_slice %arg7[%add3A_85, %dma_wait3A_86] : memref<32x56xi32, #tpu.memory_space<vmem>> -> memref<1x56xi32, #tpu.memory_space<vmem>>
      %dma_wait3A_88 = tpu.memref_squeeze %dma_wait3A_87 : memref<1x56xi32, #tpu.memory_space<vmem>> -> memref<56xi32, #tpu.memory_space<vmem>>
      %dma_wait3A_89 = arith.constant 0 : i32
      %dma_wait3A_90 = arith.constant 0 : i32
      %dma_wait3A_91 = tpu.memref_slice %arg2[%dma_wait3A_89, %dma_wait3A_90] : memref<1000x1024xf32, #tpu.memory_space<hbm>> -> memref<1000x1024xf32, #tpu.memory_space<hbm>>
      tpu.wait_indirect_dma semaphore(%arg12 : memref<!tpu.dma_semaphore, #tpu.memory_space<semaphore_mem>>) src(%dma_wait3A_91 : memref<1000x1024xf32, #tpu.memory_space<hbm>>) dst(%arg9 : memref<56x1024xf32, #tpu.memory_space<vmem>>)
      %add3A_92 = arith.addi %mul3A_2, %add3A_85 : i32
      %dma_start3A_93 = arith.constant 0 : i32
      %dma_start3A_94 = arith.constant 0 : i32
      %dma_start3A_95 = tpu.memref_slice %arg5[%add3A_92, %dma_start3A_93, %dma_start3A_94] : memref<1024x56x1024xf32, #tpu.memory_space<hbm>> -> memref<1x56x1024xf32, #tpu.memory_space<hbm>>
      %dma_start3A_96 = tpu.memref_squeeze %dma_start3A_95 : memref<1x56x1024xf32, #tpu.memory_space<hbm>> -> memref<56x1024xf32, #tpu.memory_space<hbm>>
      %dma_start3A_97 = arith.constant 0 : i32
      %dma_start3A_98 = arith.constant 0 : i32
      %dma_start3A_99 = tpu.memref_slice %arg5[%add3A_92, %dma_start3A_97, %dma_start3A_98] : memref<1024x56x1024xf32, #tpu.memory_space<hbm>> -> memref<1x56x1024xf32, #tpu.memory_space<hbm>>
      %dma_start3A_100 = tpu.memref_squeeze %dma_start3A_99 : memref<1x56x1024xf32, #tpu.memory_space<hbm>> -> memref<56x1024xf32, #tpu.memory_space<hbm>>
      tpu.enqueue_dma source(%arg9 : memref<56x1024xf32, #tpu.memory_space<vmem>>) target(%dma_start3A_100 : memref<56x1024xf32, #tpu.memory_space<hbm>>) target_semaphore(%arg14 : memref<!tpu.dma_semaphore, #tpu.memory_space<semaphore_mem>>)
      %add3A_101 = arith.constant 2 : i32
      %add3A_102 = arith.addi %add3A_85, %add3A_101 : i32
      %lt3A_103 = arith.constant 32 : i32
      %lt3A_104 = arith.cmpi slt, %add3A_102, %lt3A_103 : i32
      %convert_element_type3A_105 = arith.extui %lt3A_104 : i1 to i32
      %cond3A_106 = arith.constant 0 : i32
      %cond3A_107 = arith.cmpi ne, %convert_element_type3A_105, %cond3A_106 : i32
      scf.if %cond3A_107 {
        %add3A_108 = arith.addi %mul3A_2, %add3A_85 : i32
        %dma_wait3A_109 = arith.constant 0 : i32
        %dma_wait3A_110 = arith.constant 0 : i32
        %dma_wait3A_111 = tpu.memref_slice %arg5[%add3A_108, %dma_wait3A_109, %dma_wait3A_110] : memref<1024x56x1024xf32, #tpu.memory_space<hbm>> -> memref<1x56x1024xf32, #tpu.memory_space<hbm>>
        %dma_wait3A_112 = tpu.memref_squeeze %dma_wait3A_111 : memref<1x56x1024xf32, #tpu.memory_space<hbm>> -> memref<56x1024xf32, #tpu.memory_space<hbm>>
        %dma_wait3A_113 = arith.constant 0 : i32
        %dma_wait3A_114 = arith.constant 0 : i32
        %dma_wait3A_115 = tpu.memref_slice %arg5[%add3A_108, %dma_wait3A_113, %dma_wait3A_114] : memref<1024x56x1024xf32, #tpu.memory_space<hbm>> -> memref<1x56x1024xf32, #tpu.memory_space<hbm>>
        %dma_wait3A_116 = tpu.memref_squeeze %dma_wait3A_115 : memref<1x56x1024xf32, #tpu.memory_space<hbm>> -> memref<56x1024xf32, #tpu.memory_space<hbm>>
        tpu.wait_dma2 semaphore(%arg14 : memref<!tpu.dma_semaphore, #tpu.memory_space<semaphore_mem>>) src(%arg9 : memref<56x1024xf32, #tpu.memory_space<vmem>>) dst(%dma_wait3A_116 : memref<56x1024xf32, #tpu.memory_space<hbm>>)
        %add3A_117 = arith.constant 2 : i32
        %add3A_118 = arith.addi %add3A_85, %add3A_117 : i32
        %dma_start3A_119 = arith.constant 0 : i32
        %dma_start3A_120 = tpu.memref_slice %arg7[%add3A_118, %dma_start3A_119] : memref<32x56xi32, #tpu.memory_space<vmem>> -> memref<1x56xi32, #tpu.memory_space<vmem>>
        %dma_start3A_121 = tpu.memref_squeeze %dma_start3A_120 : memref<1x56xi32, #tpu.memory_space<vmem>> -> memref<56xi32, #tpu.memory_space<vmem>>
        %dma_start3A_122 = arith.constant 0 : i32
        %dma_start3A_123 = arith.constant 0 : i32
        %dma_start3A_124 = tpu.memref_slice %arg2[%dma_start3A_122, %dma_start3A_123] : memref<1000x1024xf32, #tpu.memory_space<hbm>> -> memref<1000x1024xf32, #tpu.memory_space<hbm>>
        tpu.enqueue_indirect_dma source(%dma_start3A_124 : memref<1000x1024xf32, #tpu.memory_space<hbm>>) target(%arg9 : memref<56x1024xf32, #tpu.memory_space<vmem>>) offsets(%dma_start3A_121 : memref<56xi32, #tpu.memory_space<vmem>>) semaphore(%arg12 : memref<!tpu.dma_semaphore, #tpu.memory_space<semaphore_mem>>)
      } else {
      }
    }
    %scan3A_38 = arith.constant 16 : i32
    %add3A_39 = arith.constant 30 : i32
    %add3A_40 = arith.addi %mul3A_2, %add3A_39 : i32
    %dma_wait3A = arith.constant 0 : i32
    %dma_wait3A_41 = arith.constant 0 : i32
    %dma_wait3A_42 = tpu.memref_slice %arg5[%add3A_40, %dma_wait3A, %dma_wait3A_41] : memref<1024x56x1024xf32, #tpu.memory_space<hbm>> -> memref<1x56x1024xf32, #tpu.memory_space<hbm>>
    %dma_wait3A_43 = tpu.memref_squeeze %dma_wait3A_42 : memref<1x56x1024xf32, #tpu.memory_space<hbm>> -> memref<56x1024xf32, #tpu.memory_space<hbm>>
    %dma_wait3A_44 = arith.constant 0 : i32
    %dma_wait3A_45 = arith.constant 0 : i32
    %dma_wait3A_46 = tpu.memref_slice %arg5[%add3A_40, %dma_wait3A_44, %dma_wait3A_45] : memref<1024x56x1024xf32, #tpu.memory_space<hbm>> -> memref<1x56x1024xf32, #tpu.memory_space<hbm>>
    %dma_wait3A_47 = tpu.memref_squeeze %dma_wait3A_46 : memref<1x56x1024xf32, #tpu.memory_space<hbm>> -> memref<56x1024xf32, #tpu.memory_space<hbm>>
    tpu.wait_dma2 semaphore(%arg13 : memref<!tpu.dma_semaphore, #tpu.memory_space<semaphore_mem>>) src(%arg8 : memref<56x1024xf32, #tpu.memory_space<vmem>>) dst(%dma_wait3A_47 : memref<56x1024xf32, #tpu.memory_space<hbm>>)
    %add3A_48 = arith.constant 31 : i32
    %add3A_49 = arith.addi %mul3A_2, %add3A_48 : i32
    %dma_wait3A_50 = arith.constant 0 : i32
    %dma_wait3A_51 = arith.constant 0 : i32
    %dma_wait3A_52 = tpu.memref_slice %arg5[%add3A_49, %dma_wait3A_50, %dma_wait3A_51] : memref<1024x56x1024xf32, #tpu.memory_space<hbm>> -> memref<1x56x1024xf32, #tpu.memory_space<hbm>>
    %dma_wait3A_53 = tpu.memref_squeeze %dma_wait3A_52 : memref<1x56x1024xf32, #tpu.memory_space<hbm>> -> memref<56x1024xf32, #tpu.memory_space<hbm>>
    %dma_wait3A_54 = arith.constant 0 : i32
    %dma_wait3A_55 = arith.constant 0 : i32
    %dma_wait3A_56 = tpu.memref_slice %arg5[%add3A_49, %dma_wait3A_54, %dma_wait3A_55] : memref<1024x56x1024xf32, #tpu.memory_space<hbm>> -> memref<1x56x1024xf32, #tpu.memory_space<hbm>>
    %dma_wait3A_57 = tpu.memref_squeeze %dma_wait3A_56 : memref<1x56x1024xf32, #tpu.memory_space<hbm>> -> memref<56x1024xf32, #tpu.memory_space<hbm>>
    tpu.wait_dma2 semaphore(%arg14 : memref<!tpu.dma_semaphore, #tpu.memory_space<semaphore_mem>>) src(%arg9 : memref<56x1024xf32, #tpu.memory_space<vmem>>) dst(%dma_wait3A_57 : memref<56x1024xf32, #tpu.memory_space<hbm>>)
    return
  }
}

</mosaic_0001>

<sc_bundles>
// kernel: kernel.3.cloned.1.call-start
scs
__scs_entry_jumppad:
0x0: {  	(pc) =	sbr.rel $0x88, $3  }
0x1: {  	(tag) =	ssettag $0x0;
	lr =	simm.s32 $0x1  }
0x2: {  	[smem:$0x3F9E] =	sst lr;
	_ =	strace $0xD0000000  }
0x3: {  	_ = 	snop  }
0x4: {  	_ = 	snop  }
0x5: {  	_ = 	snop  }
0x6: {  	_ = 	snop  }
0x7: {  	_ = 	snop  }
__scs_overlays_trampoline_lowered:
0x8: {  	[smem:$0x3FAD] =	sst s0  }
0x9: {  	[smem:$0x3FAE] =	sst s1  }
0xa: {  	[smem:$0x3FAF] =	sst s2  }
0xb: {  	[smem:$0x3FB0] =	sst s3  }
0xc: {  	[smem:$0x3FB1] =	sst s4  }
0xd: {  	[smem:$0x3FB2] =	sst s5  }
0xe: {  	[smem:$0x3FB3] =	sst s6  }
0xf: {  	[smem:$0x3FB4] =	sst s7  }
0x10: {  	[smem:$0x3FB5] =	sst s8  }
0x11: {  	[smem:$0x3FB6] =	sst s9;
	s0 =	simm.s32 @!p0 $0x0  }
0x12: {  	s1 =	sld [smem:$0x3F9C];
	s0 =	simm.s32 @p0 $0x1  }
0x13: {  	[smem:$0x3FB7] =	sst s0;
	s0 =	simm.s32 @!p1 $0x0  }
0x14: {  	s2 =	sld [smem:$0x3F9B];
	s0 =	simm.s32 @p1 $0x1  }
0x15: {  	[smem:$0x3FB8] =	sst s0;
	s0 =	simm.s32 @!p2 $0x0  }
0x16: {  	s3 =	sld [smem:$0x3FDB];
	s0 =	simm.s32 @p2 $0x1  }
0x17: {  	s4 =	simm.s32 $0x1BF5;
	[smem:$0x3FBA] =	sst s0  }
0x18: {  	s0 =	sld [smem:$0x3F9D];
	_ =	swait.ge [sflag:s4], $0x0  }
0x19: {  	s7 =	sld [smem:$0x3F9E]  }
0x1a: {  	s8 =	sadd.s32 $0xFFFFE003, lr  }
0x1b: {  	s9 =	sadd.s32 $0xFFFFFEF7, lr;
	s5 =	simm.s32 $0xFFFFFFFF;
	p2 =	slt.u32 s8, $0xFFFFF086  }
0x1c: {  	p1 =	slt.u32 s9, $0xF7A;
	s5 =	simm.s32 @!p2 $0x0  }
0x1d: {  	s5 =	simm.s32 @p1 $0x1;
	p0 =	seq.s32 s7, s2  }
0x1e: {  	s7 =	smul.u32 @!p0 $0xF7A, s2;
	p2 =	seq.s32 @!p0 s5, $0x0  }
0x1f: {  	s9 =	smul.u32 $0xF7A, s1;
	s8 =	simm.s32 @!p0 $0x1BF5;
	p2 =	por !p2, p0  }
0x20: {  	[sflag:s8] =	ssyncset.s32 @!p0 $0xFFFFF086;
	s6 =	sadd.s32 @!p0 s3, s7;
	s7 =	simm.s32 @!p0 $0x108  }
0x21: {  	s3 =	sadd.s32 s3, s9;
	s6 =	sadd.s32 @!p0 $0x88, s6;
	s7 =	simm.s32 @p2 $0x1082  }
0x22: {  	[simem:s7], [sflag:s8] =	dma.local @!p0 [hbm:s6], $0xF7A  }
0x23: {  	s9 =	sor.u32 $0xD0000000, s2;
	s6 =	simm.s32 $0x108;
	_ =	swait.ge @!p0 [sflag:s8], $0x0  }
0x24: {  	s3 =	sadd.s32 $0x88, s3;
	s6 =	simm.s32 @!p1 $0x1082;
	[sflag:s4] =	ssyncset.s32 $0xFFFFF086  }
0x25: {  	[simem:s6], [sflag:s4] =	dma.local [hbm:s3], $0xF7A  }
0x26: {  	[smem:$0x3F9E] =	sst s1;
	(tag) =	ssettag s2;
	_ =	strace s9  }
0x27: {  	s1 =	sld [smem:$0x3FAE]  }
0x28: {  	s2 =	sld [smem:$0x3FAF]  }
0x29: {  	s4 =	sld [smem:$0x3FB1]  }
0x2a: {  	p0 =	seq.s32 s5, $0x0;
	s5 =	sld [smem:$0x3FB2]  }
0x2b: {  	s6 =	sld [smem:$0x3FB3]  }
0x2c: {  	s7 =	sld [smem:$0x3FB4]  }
0x2d: {  	s3 =	simm.s32 $0x108;
	s8 =	sld [smem:$0x3FB5]  }
0x2e: {  	s3 =	simm.s32 @!p0 $0x1082;
	s9 =	sld [smem:$0x3FB6]  }
0x2f: {  	lr =	sadd.s32 s0, s3;
	s0 =	sld [smem:$0x3FAD]  }
0x30: {  	s3 =	sld [smem:$0x3FB0]  }
0x31: {  	[smem:$0x3FB9] =	sst s10  }
0x32: {  	s10 =	sld [smem:$0x3FB7];
	_ =	sdelay $0x3  }
0x33: {  	p0 =	seq.s32 s10, $0x1;
	s10 =	sld [smem:$0x3FB9];
	_ =	sdelay $0x3  }
0x34: {  	[smem:$0x3FB9] =	sst s10  }
0x35: {  	s10 =	sld [smem:$0x3FB8];
	_ =	sdelay $0x3  }
0x36: {  	p1 =	seq.s32 s10, $0x1;
	s10 =	sld [smem:$0x3FB9];
	_ =	sdelay $0x3  }
0x37: {  	[smem:$0x3FB9] =	sst s10  }
0x38: {  	s10 =	sld [smem:$0x3FBA]  }
0x39: {  	_ = 	snop;
	(pc) =	sbr.ind lr, $3  }
0x3a: {  	_ = 	snop  }
0x3b: {  	_ = 	snop  }
0x3c: {  	p2 =	seq.s32 s10, $0x1;
	s10 =	sld [smem:$0x3FB9]  }
0x3d: {  	_ =	shalt  }
0x3e: {  	_ =	shalt  }
0x3f: {  	_ =	shalt  }
0x40: {  	_ =	shalt  }
0x41: {  	_ =	shalt  }
0x42: {  	_ =	shalt  }
0x43: {  	_ =	shalt  }
0x44: {  	_ =	shalt  }
0x45: {  	_ =	shalt  }
0x46: {  	_ =	shalt  }
0x47: {  	_ =	shalt  }
0x48: {  	_ =	shalt  }
0x49: {  	_ =	shalt  }
0x4a: {  	_ =	shalt  }
0x4b: {  	_ =	shalt  }
0x4c: {  	_ =	shalt  }
0x4d: {  	_ =	shalt  }
0x4e: {  	_ =	shalt  }
0x4f: {  	_ =	shalt  }
0x50: {  	_ =	shalt  }
0x51: {  	_ =	shalt  }
0x52: {  	_ =	shalt  }
0x53: {  	_ =	shalt  }
0x54: {  	_ =	shalt  }
0x55: {  	_ =	shalt  }
0x56: {  	_ =	shalt  }
0x57: {  	_ =	shalt  }
0x58: {  	_ =	shalt  }
0x59: {  	_ =	shalt  }
0x5a: {  	_ =	shalt  }
0x5b: {  	_ =	shalt  }
0x5c: {  	_ =	shalt  }
0x5d: {  	_ =	shalt  }
0x5e: {  	_ =	shalt  }
0x5f: {  	_ =	shalt  }
0x60: {  	_ =	shalt  }
0x61: {  	_ =	shalt  }
0x62: {  	_ =	shalt  }
0x63: {  	_ =	shalt  }
0x64: {  	_ =	shalt  }
0x65: {  	_ =	shalt  }
0x66: {  	_ =	shalt  }
0x67: {  	_ =	shalt  }
0x68: {  	_ =	shalt  }
0x69: {  	_ =	shalt  }
0x6a: {  	_ =	shalt  }
0x6b: {  	_ =	shalt  }
0x6c: {  	_ =	shalt  }
0x6d: {  	_ =	shalt  }
0x6e: {  	_ =	shalt  }
0x6f: {  	_ =	shalt  }
0x70: {  	_ =	shalt  }
0x71: {  	_ =	shalt  }
0x72: {  	_ =	shalt  }
0x73: {  	_ =	shalt  }
0x74: {  	_ =	shalt  }
0x75: {  	_ =	shalt  }
0x76: {  	_ =	shalt  }
0x77: {  	_ =	shalt  }
0x78: {  	_ =	shalt  }
0x79: {  	_ =	shalt  }
0x7a: {  	_ =	shalt  }
0x7b: {  	_ =	shalt  }
0x7c: {  	_ =	shalt  }
0x7d: {  	_ =	shalt  }
0x7e: {  	_ =	shalt  }
0x7f: {  	_ =	shalt  }
0x80: {  	_ =	shalt  }
0x81: {  	_ =	shalt  }
0x82: {  	_ =	shalt  }
0x83: {  	_ =	shalt  }
0x84: {  	_ =	shalt  }
0x85: {  	_ =	shalt  }
0x86: {  	_ =	shalt  }
0x87: {  	_ =	shalt  }
.Lfunc_end0:
.L_simem_size_0:
called_computation.1_lowered:
.L_overlay_start_0:
0x88: {  	s2 =	sld [smem:$0x3FD9]  }
0x89: {  	s3 =	sld [smem:$0x3FFE];
	_ =	sdelay $0x1  }
0x8a: {  	s1 =	srdreg.scid  }
0x8b: {  	s0 =	sand.u32 $0x1, s1  }
0x8c: {  	s14 =	sshll.u32 s0, $0xA;
	s2 =	sadd.s32 s3, s2  }
0x8d: {  	s2 =	sadd.s32 s2, s14  }
0x8e: {  	[smem:$0x3FC5] =	sst s2  }
0x8f: {  	_ = 	snop  }
0x90: {  	s2 =	sld [smem:$0x3FD0];
	_ =	sdelay $0x2  }
0x91: {  	s4 =	simm.s32 $0xA;
	s5 =	simm.s32 $0x10;
	s15 =	sld [smem:$0x3FC8]  }
0x92: {  	[smem:s5], [sflag:s4] =	dma.local [hbm:s2], $0x1  }
0x93: {  	_ =	swait.eq [sflag:s4], $0x1  }
0x94: {  	[sflag:s4] =	ssyncset.done $0x0  }
0x95: {  	s16 =	sld [smem:$0x10];
	[sflag:s4] =	ssyncadd.s32 $0xFFFFFFFF  }
0x96: {  	s17 =	sld [smem:$0x11];
	(tm) =	ssettm $0x1  }
0x97: {  	s18 =	sld [smem:$0x3FFB];
	_ =	sdelay $0x3  }
0x98: {  	_ =	strace s18  }
0x99: {  	s5 =	sld [smem:$0x3FFC];
	_ =	sdelay $0x3  }
0x9a: {  	_ =	strace s5  }
0x9b: {  	s5 =	sld [smem:$0x3FFD];
	_ =	sdelay $0x3  }
0x9c: {  	_ =	strace s5  }
0x9d: {  	_ =	strace $0x8FFFFFFF  }
0x9e: {  	s19 =	sld [smem:$0x3FDB];
	_ =	sdelay $0x1  }
0x9f: {  	s6 =	simm.s32 $_scs_section_size  }
0xa0: {  	s7 =	simm.s32 $_size__tile_overlayer_lowered;
	s8 =	simm.s32 $_tile_overlayer_lowered  }
0xa1: {  	s22 =	simm.s32 $0x1BFF;
	s21 =	sshll.u32 s8, $0x1;
	s5 =	sadd.s32 s6, s19  }
0xa2: {  	s9 =	simm.s32 $0x0;
	s20 =	sshll.u32 s7, $0x1;
	s7 =	sadd.s32 s21, s5  }
0xa3: {  	[timem:s9], [sflag:s22] =	dma.local [hbm:s7], s20  }
0xa4: {  	_ =	swait.ge [sflag:s22], s20  }
0xa5: {  	s6 =	ssub.s32 $0x0, s20;
	[sflag:s22] =	ssyncset.done $0x0  }
0xa6: {  	[sflag:s22] =	ssyncadd.s32 s6;
	_ =	sdelay $0x1  }
0xa7: {  	s23 =	simm.s32 $0x1B8B  }
0xa8: {  	_ =	swait.ge [sflag:s23], $0x1  }
0xa9: {  	[sflag:s23] =	ssyncset.done $0x0  }
0xaa: {  	s25 =	simm.s32 $0x1B8E;
	s24 =	sld [smem:$0x3FFE];
	[sflag:s23] =	ssyncadd.s32 $0xFFFFFFFF  }
0xab: {  	s26 =	simm.s32 $execute0_lowered;
	[smem:$0x3FD2] =	sst s25  }
0xac: {  	s7 =	sshll.u32 s26, $0x1;
	_ =	strace $0x80000046;
	[dreg:$0x1] =	wrdreg $0xFFFFFFFF  }
0xad: {  	s28 =	simm.s32 $_size_execute0_lowered;
	s5 =	sadd.s32 s5, s7;
	[dreg:$0x0] =	wrdreg $0x0  }
0xae: {  	s7 =	sshll.u32 s28, $0x1;
	[dreg:$0x2] =	wrdreg s5  }
0xaf: {  	[dreg:$0x3] =	wrdreg s7  }
0xb0: {  	[dreg:$0x4] =	wrdreg $0xC0  }
0xb1: {  	_ =	task [dreg:s9], $0x5FFFF  }
0xb2: {  	[dreg:$0x1] =	wrdreg $0xFFFFFFFF  }
0xb3: {  	[dreg:$0x0] =	wrdreg $0x60  }
0xb4: {  	[dreg:$0x2] =	wrdreg s16  }
0xb5: {  	[dreg:$0x3] =	wrdreg s24  }
0xb6: {  	[dreg:$0x4] =	wrdreg s15  }
0xb7: {  	[dreg:$0x5] =	wrdreg s17  }
0xb8: {  	[dreg:$0x6] =	wrdreg $0x9  }
0xb9: {  	_ =	task.clear_ibuf [dreg:s9], $0x7FFFF;
	_ =	strace $0x90000046  }
0xba: {  	s29 =	simm.s32 $0x9;
	_ =	strace $0x80000048  }
0xbb: {  	_ =	swait.ge [sflag:s29], $0x1  }
0xbc: {  	[sflag:s29] =	ssyncadd.s32 $0xFFFFFFFF  }
0xbd: {  	_ =	strace $0x90000048  }
0xbe: {  	_ =	sfence  }
0xbf: {  	s30 =	sld [smem:$0x0];
	_ =	sdelay $0x2  }
0xc0: {  	s31 =	sshll.u32 s1, $0xD;
	s1 =	sshrl.u32 s1, $0x2  }
0xc1: {  	s3 =	sand.u32 $0x4000, s31;
	s1 =	sadd.s32 s1, s30  }
0xc2: {  	s0 =	sor.u32 s3, s0;
	s1 =	sshll.u32 s1, $0x11  }
0xc3: {  	s0 =	sor.u32 s1, s0  }
0xc4: {  	s0 =	sadd.s32 $0x8F2B, s0  }
0xc5: {  	[sflag:s0] =	ssyncadd.remote.s32 $0x1  }
0xc6: {  	_ =	sfence.sel $0xFFFF  }
0xc7: {  	[dreg:$0x0] =	wrdreg $0xFFFFFFFF;
	(pc) =	sbr.abs _section_cstart, $3  }
0xc8: {  	[dreg:$0x1] =	wrdreg $0xFFFFFFFF  }
0xc9: {  	_ =	task.clear_ibuf [dreg:s9], $0x2FFFF;
	_ =	strace $0x9FFFFFFF  }
0xca: {  	(tm) =	ssettm $0x7FFFFFFF  }
0xcb: {  	_ =	shalt  }
tec
execute0_lowered:
.L_overlay_start_1:
0x0: {  	(tag) =	ssettag $0x1  }
0x1: {  	s1 =	rddreg [dreg:$0x0]  }
0x2: {  	s0 =	rddreg [dreg:$0x1]  }
0x3: {  	s2 =	rddreg [dreg:$0x2]  }
0x4: {  	s4 =	rddreg [dreg:$0x3]  }
0x5: {  	s5 =	srdreg.scid;
	s7 =	stileid.u32;
	s3 =	simm.s32 $0x0  }
0x6: {  	s14 =	simm.s32 $0x1000;
	s18 =	simm.s32 $0xF000;
	s31 =	simm.s32 $0xF800  }
0x7: {  	s12 =	simm.s32 $0x18000;
	s13 =	simm.s32 $0x19000;
	s15 =	simm.s32 $0x19800  }
0x8: {  	s16 =	simm.s32 $0x1A000;
	s17 =	simm.s32 $0x1A800;
	s19 =	simm.s32 $0x1B000  }
0x9: {  	s20 =	simm.s32 $0x1B800;
	s21 =	simm.s32 $0x1C000;
	s22 =	simm.s32 $0x1C800  }
0xa: {  	s23 =	simm.s32 $0x1;
	s24 =	simm.s32 $0x2;
	s29 =	simm.s32 $0x0  }
0xb: {  	s5 =	sand.u32 $0x1, s5;
	s6 =	sshll.u32 s7, $0x1;
	[smem:$0x7FF] =	sst s3  }
0xc: {  	s7 =	smul.u32 $0x70000, s7;
	s6 =	sor.u32 s5, s6;
	_ =	strace $0x80000047  }
0xd: {  	s9 =	ssub.s32 $0x2, s5;
	s5 =	smul.u32 $0x38000, s5;
	s8 =	sshll.u32 s6, $0x9  }
0xe: {  	s25 =	sshrl.u32 s9, $0x1;
	s6 =	sshll.u32 s6, $0x2;
	s8 =	sadd.s32 s8, s0  }
0xf: {  	s0 =	sadd.s32 s7, s0;
	s10 =	ssub.s32 s9, s25;
	s2 =	sadd.s32 s2, s6  }
0x10: {  	s26 =	sadd.s32 s4, s6;
	s7 =	sadd.s32 $0x100, s1;
	s9 =	sadd.s32 $0x300, s1  }
0x11: {  	s4 =	simm.s32 $0x16800;
	s6 =	simm.s32 $0x17800;
	[dreg:$0x5] =	wrdreg s2  }
.Ltmp0:
0x12: {  	s25 =	simm.s32 $0x3;
	[dreg:$0x6] =	wrdreg s26;
	(pc) =	sbr.rel .LBB2_1-.Ltmp0, $4  }
0x13: {  	s28 =	sadd.s32 $0xC00, s8;
	s8 =	sadd.s32 $0x200, s1;
	s0 =	sadd.s32 s5, s0  }
0x14: {  	v2 =	vlaneseq.u32;
	s30 =	smax.u32 s10, $0x1;
	s2 =	simm.s32 $0x16000;
	s5 =	simm.s32 $0x17000  }
0x15: {  	vm0 =	vmmov $0xffff;
	v1 =	vshrl.u32 v2, $0x3;
	s10 =	simm.s32 $0x18800;
	s26 =	simm.s32 $0x4;
	[dreg:$0x7] =	wrdreg s28  }
0x16: {  	v0 =	vand.u32 $0x7, v2;
	v2 =	vor.u32 $0x8, v2;
	v1 =	vmul.u32 $0x8, v1;
	[dreg:$0x8] =	wrdreg s30;
	s11 =	sadd.s32 $0x4C00, s0;
	s0 =	simm.s32 $0x15800  }
.LBB2_6:
0x17: {  	_ =	swait.ge [sflag:s25], $0xE000  }
0x18: {  	[sflag:s25] =	ssyncset.done $0x0  }
0x19: {  	[sflag:s25] =	ssyncadd.s32 $0xFFFF2000  }
0x1a: {  	_ =	swait.ge [sflag:s26], $0xE000  }
0x1b: {  	s29 =	rddreg [dreg:$0x9]  }
0x1c: {  	s28 =	rddreg [dreg:$0x8];
	s29 =	sadd.s32 $0x1, s29  }
0x1d: {  	p0 =	sne.s32 s29, s28  }
.Ltmp1:
0x1e: {  	_ = 	snop;
	(pc) =	sbr.rel @!p0 .LBB2_7-.Ltmp1, $3  }
0x1f: {  	_ =	sdelay $0x1  }
0x20: {  	[sflag:s26] =	ssyncset.done $0x0  }
0x21: {  	[sflag:s26] =	ssyncadd.s32 $0xFFFF2000  }
.LBB2_1:
0x22: {  	[dreg:$0x9] =	wrdreg s29  }
0x23: {  	s28 =	rddreg [dreg:$0x5];
	s29 =	simm.s32 $0x1D000;
	s30 =	simm.s32 $0x5  }
0x24: {  	[tilespmem:s29], [sflag:$0x5] =	stream.linear.gather [hbm4b:s28+s3], $0x20, $0x38;
	[tilespmem:$0x1D080] =	vst v63  }
0x25: {  	_ =	swait.ge [sflag:s30], $0x20  }
0x26: {  	[sflag:s30] =	ssyncset.done $0x0  }
0x27: {  	[sflag:s30] =	ssyncadd.s32 $0xFFFFFFE0  }
0x28: {  	v3 =	vld [tilespmem:$0x1D000]  }
0x29: {  	v4 =	vld [tilespmem:$0x1D010];
	_ =	sdelay $0x3  }
0x2a: {  	v3 =	vadd.s32 $0xFFFFFFFF, v3  }
0x2b: {  	[tilespmem:$0x1D000] =	vst v3;
	v3 =	vadd.s32 $0xFFFFFFFF, v4  }
0x2c: {  	s28 =	rddreg [dreg:$0x6];
	[tilespmem:$0x1D010] =	vst v3  }
0x2d: {  	[hbm4b:s28+s3] =	stream.linear.scatter [tilespmem:s29], [sflag:$0x5], $0x20, $0x38;
	[tilespmem:$0x1D080] =	vst v63  }
0x2e: {  	_ =	swait.ge [sflag:s30], $0x20  }
0x2f: {  	[sflag:s30] =	ssyncset.done $0x0  }
0x30: {  	s28 =	rddreg [dreg:$0x7];
	[sflag:s30] =	ssyncadd.s32 $0xFFFFFFE0  }
0x31: {  	[tilespmem:s3], [sflag:$0x5] =	stream.linear.gather [hbm4b:s28+s3], $0x1000, $0x38;
	[tilespmem:$0x1D080] =	vst v63  }
0x32: {  	_ =	swait.ge [sflag:s30], $0x1000  }
0x33: {  	[sflag:s30] =	ssyncset.done $0x0  }
0x34: {  	[sflag:s30] =	ssyncadd.s32 $0xFFFFF000  }
0x35: {  	v3 =	vld [tilespmem:$0x0];
	_ =	sdelay $0x4  }
0x36: {  	v56 =	vshll.u32 v3, $0x3  }
0x37: {  	v3 =	vand.u32 $0x7, v3;
	v4 =	vand.u32 $0xFFFFFFC0, v56  }
0x38: {  	v3 =	vor.u32 v3, v4  }
0x39: {  	v4 =	vperm.xlane v3, v0;
	_ =	sdelay $0x1  }
0x3a: {  	v4 =	vadd.s32 v1, v4;
	_ =	sdelay $0x4  }
0x3b: {  	[tilespmem:s14], [sflag:$0x1] =	stream.indirect_vreg.gather [hbm4b:s1+s3], $0x80, v4, vm0, $0xb8;
	[tilespmem:$0x1D080] =	vst v63  }
0x3c: {  	s28 =	simm.s32 $0x1800;
	v3 =	vperm.xlane v3, v2  }
0x3d: {  	[tilespmem:s28], [sflag:$0x1] =	stream.indirect_vreg.gather [hbm4b:s7+s3], $0x80, v4, vm0, $0xb8;
	[tilespmem:$0x1D080] =	vst v63  }
0x3e: {  	v3 =	vadd.s32 v1, v3;
	s28 =	simm.s32 $0x2000  }
0x3f: {  	[tilespmem:s28], [sflag:$0x1] =	stream.indirect_vreg.gather [hbm4b:s8+s3], $0x80, v4, vm0, $0xb8;
	[tilespmem:$0x1D080] =	vst v63  }
0x40: {  	s28 =	simm.s32 $0x2800  }
0x41: {  	[tilespmem:s28], [sflag:$0x1] =	stream.indirect_vreg.gather [hbm4b:s9+s3], $0x80, v4, vm0, $0xb8;
	[tilespmem:$0x1D080] =	vst v63  }
0x42: {  	s28 =	simm.s32 $0x3000  }
0x43: {  	[tilespmem:s28], [sflag:$0x1] =	stream.indirect_vreg.gather [hbm4b:s1+s3], $0x80, v3, vm0, $0xb8;
	[tilespmem:$0x1D080] =	vst v63  }
0x44: {  	s28 =	simm.s32 $0x3800  }
0x45: {  	[tilespmem:s28], [sflag:$0x1] =	stream.indirect_vreg.gather [hbm4b:s7+s3], $0x80, v3, vm0, $0xb8;
	[tilespmem:$0x1D080] =	vst v63  }
0x46: {  	s28 =	simm.s32 $0x4000  }
0x47: {  	[tilespmem:s28], [sflag:$0x1] =	stream.indirect_vreg.gather [hbm4b:s8+s3], $0x80, v3, vm0, $0xb8;
	[tilespmem:$0x1D080] =	vst v63  }
0x48: {  	s28 =	simm.s32 $0x4800  }
0x49: {  	[tilespmem:s28], [sflag:$0x1] =	stream.indirect_vreg.gather [hbm4b:s9+s3], $0x80, v3, vm0, $0xb8;
	[tilespmem:$0x1D080] =	vst v63  }
0x4a: {  	v3 =	vld [tilespmem:$0x10];
	_ =	sdelay $0x4  }
0x4b: {  	v57 =	vshll.u32 v3, $0x3  }
0x4c: {  	v3 =	vand.u32 $0x7, v3;
	v4 =	vand.u32 $0xFFFFFFC0, v57  }
0x4d: {  	v3 =	vor.u32 v3, v4  }
0x4e: {  	v4 =	vperm.xlane v3, v0;
	_ =	sdelay $0x1  }
0x4f: {  	v4 =	vadd.s32 v1, v4;
	_ =	sdelay $0x3  }
0x50: {  	s28 =	simm.s32 $0x5000  }
0x51: {  	[tilespmem:s28], [sflag:$0x1] =	stream.indirect_vreg.gather [hbm4b:s1+s3], $0x80, v4, vm0, $0xb8;
	[tilespmem:$0x1D080] =	vst v63  }
0x52: {  	v3 =	vperm.xlane v3, v2;
	s28 =	simm.s32 $0x5800  }
0x53: {  	[tilespmem:s28], [sflag:$0x1] =	stream.indirect_vreg.gather [hbm4b:s7+s3], $0x80, v4, vm0, $0xb8;
	[tilespmem:$0x1D080] =	vst v63  }
0x54: {  	v3 =	vadd.s32 v1, v3;
	s28 =	simm.s32 $0x6000  }
0x55: {  	[tilespmem:s28], [sflag:$0x1] =	stream.indirect_vreg.gather [hbm4b:s8+s3], $0x80, v4, vm0, $0xb8;
	[tilespmem:$0x1D080] =	vst v63  }
0x56: {  	s28 =	simm.s32 $0x6800  }
0x57: {  	[tilespmem:s28], [sflag:$0x1] =	stream.indirect_vreg.gather [hbm4b:s9+s3], $0x80, v4, vm0, $0xb8;
	[tilespmem:$0x1D080] =	vst v63  }
0x58: {  	s28 =	simm.s32 $0x7000  }
0x59: {  	[tilespmem:s28], [sflag:$0x1] =	stream.indirect_vreg.gather [hbm4b:s1+s3], $0x80, v3, vm0, $0xb8;
	[tilespmem:$0x1D080] =	vst v63  }
0x5a: {  	s28 =	simm.s32 $0x7800  }
0x5b: {  	[tilespmem:s28], [sflag:$0x1] =	stream.indirect_vreg.gather [hbm4b:s7+s3], $0x80, v3, vm0, $0xb8;
	[tilespmem:$0x1D080] =	vst v63  }
0x5c: {  	s28 =	simm.s32 $0x8000  }
0x5d: {  	[tilespmem:s28], [sflag:$0x1] =	stream.indirect_vreg.gather [hbm4b:s8+s3], $0x80, v3, vm0, $0xb8;
	[tilespmem:$0x1D080] =	vst v63  }
0x5e: {  	s28 =	simm.s32 $0x8800  }
0x5f: {  	[tilespmem:s28], [sflag:$0x1] =	stream.indirect_vreg.gather [hbm4b:s9+s3], $0x80, v3, vm0, $0xb8;
	[tilespmem:$0x1D080] =	vst v63  }
0x60: {  	v3 =	vld [tilespmem:$0x20];
	_ =	sdelay $0x4  }
0x61: {  	v58 =	vshll.u32 v3, $0x3  }
0x62: {  	v3 =	vand.u32 $0x7, v3;
	v4 =	vand.u32 $0xFFFFFFC0, v58  }
0x63: {  	v3 =	vor.u32 v3, v4  }
0x64: {  	v4 =	vperm.xlane v3, v0;
	_ =	sdelay $0x1  }
0x65: {  	v4 =	vadd.s32 v1, v4;
	_ =	sdelay $0x3  }
0x66: {  	s28 =	simm.s32 $0x9000  }
0x67: {  	[tilespmem:s28], [sflag:$0x1] =	stream.indirect_vreg.gather [hbm4b:s1+s3], $0x80, v4, vm0, $0xb8;
	[tilespmem:$0x1D080] =	vst v63  }
0x68: {  	v3 =	vperm.xlane v3, v2;
	s28 =	simm.s32 $0x9800  }
0x69: {  	[tilespmem:s28], [sflag:$0x1] =	stream.indirect_vreg.gather [hbm4b:s7+s3], $0x80, v4, vm0, $0xb8;
	[tilespmem:$0x1D080] =	vst v63  }
0x6a: {  	v3 =	vadd.s32 v1, v3;
	s28 =	simm.s32 $0xA000  }
0x6b: {  	[tilespmem:s28], [sflag:$0x1] =	stream.indirect_vreg.gather [hbm4b:s8+s3], $0x80, v4, vm0, $0xb8;
	[tilespmem:$0x1D080] =	vst v63  }
0x6c: {  	s28 =	simm.s32 $0xA800  }
0x6d: {  	[tilespmem:s28], [sflag:$0x1] =	stream.indirect_vreg.gather [hbm4b:s9+s3], $0x80, v4, vm0, $0xb8;
	[tilespmem:$0x1D080] =	vst v63  }
0x6e: {  	s28 =	simm.s32 $0xB000  }
0x6f: {  	[tilespmem:s28], [sflag:$0x1] =	stream.indirect_vreg.gather [hbm4b:s1+s3], $0x80, v3, vm0, $0xb8;
	[tilespmem:$0x1D080] =	vst v63  }
0x70: {  	s28 =	simm.s32 $0xB800  }
0x71: {  	[tilespmem:s28], [sflag:$0x1] =	stream.indirect_vreg.gather [hbm4b:s7+s3], $0x80, v3, vm0, $0xb8;
	[tilespmem:$0x1D080] =	vst v63  }
0x72: {  	s28 =	simm.s32 $0xC000  }
0x73: {  	[tilespmem:s28], [sflag:$0x1] =	stream.indirect_vreg.gather [hbm4b:s8+s3], $0x80, v3, vm0, $0xb8;
	[tilespmem:$0x1D080] =	vst v63  }
0x74: {  	s28 =	simm.s32 $0xC800  }
0x75: {  	[tilespmem:s28], [sflag:$0x1] =	stream.indirect_vreg.gather [hbm4b:s9+s3], $0x80, v3, vm0, $0xb8;
	[tilespmem:$0x1D080] =	vst v63  }
0x76: {  	v3 =	vld.msk [tilespmem:$0x30], $0xff;
	_ =	sdelay $0x4  }
0x77: {  	v59 =	vshll.u32 v3, $0x3  }
0x78: {  	v3 =	vand.u32 $0x7, v3;
	v4 =	vand.u32 $0xFFFFFFC0, v59  }
0x79: {  	v3 =	vor.u32 v3, v4  }
0x7a: {  	v3 =	vperm.xlane v3, v0;
	_ =	sdelay $0x1  }
0x7b: {  	v3 =	vadd.s32 v1, v3;
	_ =	sdelay $0x3  }
0x7c: {  	s28 =	simm.s32 $0xD000  }
0x7d: {  	[tilespmem:s28], [sflag:$0x1] =	stream.indirect_vreg.gather [hbm4b:s1+s3], $0x80, v3, vm0, $0xb8;
	[tilespmem:$0x1D080] =	vst v63  }
0x7e: {  	s28 =	simm.s32 $0xD800  }
0x7f: {  	[tilespmem:s28], [sflag:$0x1] =	stream.indirect_vreg.gather [hbm4b:s7+s3], $0x80, v3, vm0, $0xb8;
	[tilespmem:$0x1D080] =	vst v63  }
0x80: {  	s28 =	simm.s32 $0xE000  }
0x81: {  	[tilespmem:s28], [sflag:$0x1] =	stream.indirect_vreg.gather [hbm4b:s8+s3], $0x80, v3, vm0, $0xb8;
	[tilespmem:$0x1D080] =	vst v63  }
0x82: {  	s28 =	simm.s32 $0xE800  }
0x83: {  	[tilespmem:s28], [sflag:$0x1] =	stream.indirect_vreg.gather [hbm4b:s9+s3], $0x80, v3, vm0, $0xb8;
	[tilespmem:$0x1D080] =	vst v63  }
0x84: {  	v3 =	vld [tilespmem:$0x80];
	_ =	sdelay $0x4  }
0x85: {  	v60 =	vshll.u32 v3, $0x3  }
0x86: {  	v3 =	vand.u32 $0x7, v3;
	v4 =	vand.u32 $0xFFFFFFC0, v60  }
0x87: {  	v3 =	vor.u32 v3, v4  }
0x88: {  	v4 =	vperm.xlane v3, v0;
	_ =	sdelay $0x1  }
0x89: {  	v4 =	vadd.s32 v1, v4;
	_ =	sdelay $0x4  }
0x8a: {  	[tilespmem:s18], [sflag:$0x2] =	stream.indirect_vreg.gather [hbm4b:s1+s3], $0x80, v4, vm0, $0xb8;
	[tilespmem:$0x1D080] =	vst v63  }
0x8b: {  	v3 =	vperm.xlane v3, v2  }
0x8c: {  	[tilespmem:s31], [sflag:$0x2] =	stream.indirect_vreg.gather [hbm4b:s7+s3], $0x80, v4, vm0, $0xb8;
	[tilespmem:$0x1D080] =	vst v63  }
0x8d: {  	s28 =	simm.s32 $0x10000;
	v3 =	vadd.s32 v1, v3  }
0x8e: {  	[tilespmem:s28], [sflag:$0x2] =	stream.indirect_vreg.gather [hbm4b:s8+s3], $0x80, v4, vm0, $0xb8;
	[tilespmem:$0x1D080] =	vst v63  }
0x8f: {  	s28 =	simm.s32 $0x10800  }
0x90: {  	[tilespmem:s28], [sflag:$0x2] =	stream.indirect_vreg.gather [hbm4b:s9+s3], $0x80, v4, vm0, $0xb8;
	[tilespmem:$0x1D080] =	vst v63  }
0x91: {  	s28 =	simm.s32 $0x11000  }
0x92: {  	[tilespmem:s28], [sflag:$0x2] =	stream.indirect_vreg.gather [hbm4b:s1+s3], $0x80, v3, vm0, $0xb8;
	[tilespmem:$0x1D080] =	vst v63  }
0x93: {  	s28 =	simm.s32 $0x11800  }
0x94: {  	[tilespmem:s28], [sflag:$0x2] =	stream.indirect_vreg.gather [hbm4b:s7+s3], $0x80, v3, vm0, $0xb8;
	[tilespmem:$0x1D080] =	vst v63  }
0x95: {  	s28 =	simm.s32 $0x12000  }
0x96: {  	[tilespmem:s28], [sflag:$0x2] =	stream.indirect_vreg.gather [hbm4b:s8+s3], $0x80, v3, vm0, $0xb8;
	[tilespmem:$0x1D080] =	vst v63  }
0x97: {  	s28 =	simm.s32 $0x12800  }
0x98: {  	[tilespmem:s28], [sflag:$0x2] =	stream.indirect_vreg.gather [hbm4b:s9+s3], $0x80, v3, vm0, $0xb8;
	[tilespmem:$0x1D080] =	vst v63  }
0x99: {  	v3 =	vld [tilespmem:$0x90];
	_ =	sdelay $0x4  }
0x9a: {  	v61 =	vshll.u32 v3, $0x3  }
0x9b: {  	v3 =	vand.u32 $0x7, v3;
	v4 =	vand.u32 $0xFFFFFFC0, v61  }
0x9c: {  	v3 =	vor.u32 v3, v4  }
0x9d: {  	v4 =	vperm.xlane v3, v0;
	_ =	sdelay $0x1  }
0x9e: {  	v4 =	vadd.s32 v1, v4;
	_ =	sdelay $0x3  }
0x9f: {  	s28 =	simm.s32 $0x13000  }
0xa0: {  	[tilespmem:s28], [sflag:$0x2] =	stream.indirect_vreg.gather [hbm4b:s1+s3], $0x80, v4, vm0, $0xb8;
	[tilespmem:$0x1D080] =	vst v63  }
0xa1: {  	v3 =	vperm.xlane v3, v2;
	s28 =	simm.s32 $0x13800  }
0xa2: {  	[tilespmem:s28], [sflag:$0x2] =	stream.indirect_vreg.gather [hbm4b:s7+s3], $0x80, v4, vm0, $0xb8;
	[tilespmem:$0x1D080] =	vst v63  }
0xa3: {  	v3 =	vadd.s32 v1, v3;
	s28 =	simm.s32 $0x14000  }
0xa4: {  	[tilespmem:s28], [sflag:$0x2] =	stream.indirect_vreg.gather [hbm4b:s8+s3], $0x80, v4, vm0, $0xb8;
	[tilespmem:$0x1D080] =	vst v63  }
0xa5: {  	s28 =	simm.s32 $0x14800  }
0xa6: {  	[tilespmem:s28], [sflag:$0x2] =	stream.indirect_vreg.gather [hbm4b:s9+s3], $0x80, v4, vm0, $0xb8;
	[tilespmem:$0x1D080] =	vst v63  }
0xa7: {  	s28 =	simm.s32 $0x15000  }
0xa8: {  	[tilespmem:s28], [sflag:$0x2] =	stream.indirect_vreg.gather [hbm4b:s1+s3], $0x80, v3, vm0, $0xb8;
	[tilespmem:$0x1D080] =	vst v63  }
0xa9: {  	_ = 	snop  }
0xaa: {  	[tilespmem:s0], [sflag:$0x2] =	stream.indirect_vreg.gather [hbm4b:s7+s3], $0x80, v3, vm0, $0xb8;
	[tilespmem:$0x1D080] =	vst v63  }
0xab: {  	_ = 	snop  }
0xac: {  	[tilespmem:s2], [sflag:$0x2] =	stream.indirect_vreg.gather [hbm4b:s8+s3], $0x80, v3, vm0, $0xb8;
	[tilespmem:$0x1D080] =	vst v63  }
0xad: {  	_ = 	snop  }
0xae: {  	[tilespmem:s4], [sflag:$0x2] =	stream.indirect_vreg.gather [hbm4b:s9+s3], $0x80, v3, vm0, $0xb8;
	[tilespmem:$0x1D080] =	vst v63  }
0xaf: {  	v3 =	vld [tilespmem:$0xA0];
	_ =	sdelay $0x4  }
0xb0: {  	v62 =	vshll.u32 v3, $0x3  }
0xb1: {  	v3 =	vand.u32 $0x7, v3;
	v4 =	vand.u32 $0xFFFFFFC0, v62  }
0xb2: {  	v3 =	vor.u32 v3, v4  }
0xb3: {  	v4 =	vperm.xlane v3, v0;
	_ =	sdelay $0x1  }
0xb4: {  	v4 =	vadd.s32 v1, v4;
	_ =	sdelay $0x4  }
0xb5: {  	[tilespmem:s5], [sflag:$0x2] =	stream.indirect_vreg.gather [hbm4b:s1+s3], $0x80, v4, vm0, $0xb8;
	[tilespmem:$0x1D080] =	vst v63  }
0xb6: {  	v3 =	vperm.xlane v3, v2  }
0xb7: {  	[tilespmem:s6], [sflag:$0x2] =	stream.indirect_vreg.gather [hbm4b:s7+s3], $0x80, v4, vm0, $0xb8;
	[tilespmem:$0x1D080] =	vst v63  }
0xb8: {  	v3 =	vadd.s32 v1, v3  }
0xb9: {  	[tilespmem:s12], [sflag:$0x2] =	stream.indirect_vreg.gather [hbm4b:s8+s3], $0x80, v4, vm0, $0xb8;
	[tilespmem:$0x1D080] =	vst v63  }
0xba: {  	_ = 	snop  }
0xbb: {  	[tilespmem:s10], [sflag:$0x2] =	stream.indirect_vreg.gather [hbm4b:s9+s3], $0x80, v4, vm0, $0xb8;
	[tilespmem:$0x1D080] =	vst v63  }
0xbc: {  	_ = 	snop  }
0xbd: {  	[tilespmem:s13], [sflag:$0x2] =	stream.indirect_vreg.gather [hbm4b:s1+s3], $0x80, v3, vm0, $0xb8;
	[tilespmem:$0x1D080] =	vst v63  }
0xbe: {  	_ = 	snop  }
0xbf: {  	[tilespmem:s15], [sflag:$0x2] =	stream.indirect_vreg.gather [hbm4b:s7+s3], $0x80, v3, vm0, $0xb8;
	[tilespmem:$0x1D080] =	vst v63  }
0xc0: {  	_ = 	snop  }
0xc1: {  	[tilespmem:s16], [sflag:$0x2] =	stream.indirect_vreg.gather [hbm4b:s8+s3], $0x80, v3, vm0, $0xb8;
	[tilespmem:$0x1D080] =	vst v63  }
0xc2: {  	_ = 	snop  }
0xc3: {  	[tilespmem:s17], [sflag:$0x2] =	stream.indirect_vreg.gather [hbm4b:s9+s3], $0x80, v3, vm0, $0xb8;
	[tilespmem:$0x1D080] =	vst v63  }
0xc4: {  	v3 =	vld.msk [tilespmem:$0xB0], $0xff;
	_ =	sdelay $0x4  }
0xc5: {  	v63 =	vshll.u32 v3, $0x3  }
0xc6: {  	v3 =	vand.u32 $0x7, v3;
	v4 =	vand.u32 $0xFFFFFFC0, v63  }
0xc7: {  	v3 =	vor.u32 v3, v4  }
0xc8: {  	v3 =	vperm.xlane v3, v0;
	_ =	sdelay $0x1  }
0xc9: {  	v3 =	vadd.s32 v1, v3;
	_ =	sdelay $0x4  }
0xca: {  	[tilespmem:s19], [sflag:$0x2] =	stream.indirect_vreg.gather [hbm4b:s1+s3], $0x80, v3, vm0, $0xb8;
	[tilespmem:$0x1D080] =	vst v63  }
0xcb: {  	_ = 	snop  }
0xcc: {  	[tilespmem:s20], [sflag:$0x2] =	stream.indirect_vreg.gather [hbm4b:s7+s3], $0x80, v3, vm0, $0xb8;
	[tilespmem:$0x1D080] =	vst v63  }
0xcd: {  	_ = 	snop  }
0xce: {  	[tilespmem:s21], [sflag:$0x2] =	stream.indirect_vreg.gather [hbm4b:s8+s3], $0x80, v3, vm0, $0xb8;
	[tilespmem:$0x1D080] =	vst v63  }
0xcf: {  	s29 =	simm.s32 $0x0;
	s28 =	simm.s32 $0x1B0  }
0xd0: {  	[tilespmem:s22], [sflag:$0x2] =	stream.indirect_vreg.gather [hbm4b:s9+s3], $0x80, v3, vm0, $0xb8;
	[tilespmem:$0x1D080] =	vst v63  }
.LBB2_2:
0xd1: {  	p0 =	seq.s32 s29, $0x34800  }
.Ltmp2:
0xd2: {  	_ = 	snop;
	(pc) =	sbr.rel @p0 .LBB2_4-.Ltmp2, $4  }
0xd3: {  	_ =	swait.ge [sflag:s23], $0xE000  }
0xd4: {  	[sflag:s23] =	ssyncset.done $0x0  }
0xd5: {  	s30 =	sadd.s32 s29, s11;
	[sflag:s23] =	ssyncadd.s32 $0xFFFF2000  }
0xd6: {  	[hbm4b:s30+s3] =	stream.linear.scatter [tilespmem:s14], [sflag:$0x3], $0xE000, $0x38;
	[tilespmem:$0x1D080] =	vst v63  }
0xd7: {  	_ =	swait.ge [sflag:s25], $0xE000  }
0xd8: {  	[sflag:s25] =	ssyncset.done $0x0  }
0xd9: {  	[sflag:s25] =	ssyncadd.s32 $0xFFFF2000  }
0xda: {  	v3 =	vld [tilespmem:s28+$0xFFFFFF50];
	_ =	sdelay $0x4  }
0xdb: {  	v4 =	vshll.u32 v3, $0x3  }
0xdc: {  	v3 =	vand.u32 $0x7, v3;
	v4 =	vand.u32 $0xFFFFFFC0, v4  }
0xdd: {  	v3 =	vor.u32 v3, v4  }
0xde: {  	v4 =	vperm.xlane v3, v0;
	_ =	sdelay $0x1  }
0xdf: {  	v4 =	vadd.s32 v1, v4;
	_ =	sdelay $0x4  }
0xe0: {  	[tilespmem:s14], [sflag:$0x1] =	stream.indirect_vreg.gather [hbm4b:s1+s3], $0x80, v4, vm0, $0xb8;
	[tilespmem:$0x1D080] =	vst v63  }
0xe1: {  	s31 =	simm.s32 $0x1800;
	v3 =	vperm.xlane v3, v2  }
0xe2: {  	[tilespmem:s31], [sflag:$0x1] =	stream.indirect_vreg.gather [hbm4b:s7+s3], $0x80, v4, vm0, $0xb8;
	[tilespmem:$0x1D080] =	vst v63  }
0xe3: {  	v3 =	vadd.s32 v1, v3;
	s31 =	simm.s32 $0x2000  }
0xe4: {  	[tilespmem:s31], [sflag:$0x1] =	stream.indirect_vreg.gather [hbm4b:s8+s3], $0x80, v4, vm0, $0xb8;
	[tilespmem:$0x1D080] =	vst v63  }
0xe5: {  	s31 =	simm.s32 $0x2800  }
0xe6: {  	[tilespmem:s31], [sflag:$0x1] =	stream.indirect_vreg.gather [hbm4b:s9+s3], $0x80, v4, vm0, $0xb8;
	[tilespmem:$0x1D080] =	vst v63  }
0xe7: {  	s31 =	simm.s32 $0x3000  }
0xe8: {  	[tilespmem:s31], [sflag:$0x1] =	stream.indirect_vreg.gather [hbm4b:s1+s3], $0x80, v3, vm0, $0xb8;
	[tilespmem:$0x1D080] =	vst v63  }
0xe9: {  	s31 =	simm.s32 $0x3800  }
0xea: {  	[tilespmem:s31], [sflag:$0x1] =	stream.indirect_vreg.gather [hbm4b:s7+s3], $0x80, v3, vm0, $0xb8;
	[tilespmem:$0x1D080] =	vst v63  }
0xeb: {  	s31 =	simm.s32 $0x4000  }
0xec: {  	[tilespmem:s31], [sflag:$0x1] =	stream.indirect_vreg.gather [hbm4b:s8+s3], $0x80, v3, vm0, $0xb8;
	[tilespmem:$0x1D080] =	vst v63  }
0xed: {  	s31 =	simm.s32 $0x4800  }
0xee: {  	[tilespmem:s31], [sflag:$0x1] =	stream.indirect_vreg.gather [hbm4b:s9+s3], $0x80, v3, vm0, $0xb8;
	[tilespmem:$0x1D080] =	vst v63  }
0xef: {  	v3 =	vld [tilespmem:s28+$0xFFFFFF60];
	_ =	sdelay $0x4  }
0xf0: {  	v61 =	vshll.u32 v3, $0x3  }
0xf1: {  	v3 =	vand.u32 $0x7, v3;
	v4 =	vand.u32 $0xFFFFFFC0, v61  }
0xf2: {  	v3 =	vor.u32 v3, v4  }
0xf3: {  	v4 =	vperm.xlane v3, v0;
	_ =	sdelay $0x1  }
0xf4: {  	v4 =	vadd.s32 v1, v4;
	_ =	sdelay $0x3  }
0xf5: {  	s31 =	simm.s32 $0x5000  }
0xf6: {  	[tilespmem:s31], [sflag:$0x1] =	stream.indirect_vreg.gather [hbm4b:s1+s3], $0x80, v4, vm0, $0xb8;
	[tilespmem:$0x1D080] =	vst v63  }
0xf7: {  	v3 =	vperm.xlane v3, v2;
	s31 =	simm.s32 $0x5800  }
0xf8: {  	[tilespmem:s31], [sflag:$0x1] =	stream.indirect_vreg.gather [hbm4b:s7+s3], $0x80, v4, vm0, $0xb8;
	[tilespmem:$0x1D080] =	vst v63  }
0xf9: {  	v3 =	vadd.s32 v1, v3;
	s31 =	simm.s32 $0x6000  }
0xfa: {  	[tilespmem:s31], [sflag:$0x1] =	stream.indirect_vreg.gather [hbm4b:s8+s3], $0x80, v4, vm0, $0xb8;
	[tilespmem:$0x1D080] =	vst v63  }
0xfb: {  	s31 =	simm.s32 $0x6800  }
0xfc: {  	[tilespmem:s31], [sflag:$0x1] =	stream.indirect_vreg.gather [hbm4b:s9+s3], $0x80, v4, vm0, $0xb8;
	[tilespmem:$0x1D080] =	vst v63  }
0xfd: {  	s31 =	simm.s32 $0x7000  }
0xfe: {  	[tilespmem:s31], [sflag:$0x1] =	stream.indirect_vreg.gather [hbm4b:s1+s3], $0x80, v3, vm0, $0xb8;
	[tilespmem:$0x1D080] =	vst v63  }
0xff: {  	s31 =	simm.s32 $0x7800  }
0x100: {  	[tilespmem:s31], [sflag:$0x1] =	stream.indirect_vreg.gather [hbm4b:s7+s3], $0x80, v3, vm0, $0xb8;
	[tilespmem:$0x1D080] =	vst v63  }
0x101: {  	s31 =	simm.s32 $0x8000  }
0x102: {  	[tilespmem:s31], [sflag:$0x1] =	stream.indirect_vreg.gather [hbm4b:s8+s3], $0x80, v3, vm0, $0xb8;
	[tilespmem:$0x1D080] =	vst v63  }
0x103: {  	s31 =	simm.s32 $0x8800  }
0x104: {  	[tilespmem:s31], [sflag:$0x1] =	stream.indirect_vreg.gather [hbm4b:s9+s3], $0x80, v3, vm0, $0xb8;
	[tilespmem:$0x1D080] =	vst v63  }
0x105: {  	v3 =	vld [tilespmem:s28+$0xFFFFFF70];
	_ =	sdelay $0x4  }
0x106: {  	v62 =	vshll.u32 v3, $0x3  }
0x107: {  	v3 =	vand.u32 $0x7, v3;
	v4 =	vand.u32 $0xFFFFFFC0, v62  }
0x108: {  	v3 =	vor.u32 v3, v4  }
0x109: {  	v4 =	vperm.xlane v3, v0;
	_ =	sdelay $0x1  }
0x10a: {  	v4 =	vadd.s32 v1, v4;
	_ =	sdelay $0x3  }
0x10b: {  	s31 =	simm.s32 $0x9000  }
0x10c: {  	[tilespmem:s31], [sflag:$0x1] =	stream.indirect_vreg.gather [hbm4b:s1+s3], $0x80, v4, vm0, $0xb8;
	[tilespmem:$0x1D080] =	vst v63  }
0x10d: {  	v3 =	vperm.xlane v3, v2;
	s31 =	simm.s32 $0x9800  }
0x10e: {  	[tilespmem:s31], [sflag:$0x1] =	stream.indirect_vreg.gather [hbm4b:s7+s3], $0x80, v4, vm0, $0xb8;
	[tilespmem:$0x1D080] =	vst v63  }
0x10f: {  	v3 =	vadd.s32 v1, v3;
	s31 =	simm.s32 $0xA000  }
0x110: {  	[tilespmem:s31], [sflag:$0x1] =	stream.indirect_vreg.gather [hbm4b:s8+s3], $0x80, v4, vm0, $0xb8;
	[tilespmem:$0x1D080] =	vst v63  }
0x111: {  	s31 =	simm.s32 $0xA800  }
0x112: {  	[tilespmem:s31], [sflag:$0x1] =	stream.indirect_vreg.gather [hbm4b:s9+s3], $0x80, v4, vm0, $0xb8;
	[tilespmem:$0x1D080] =	vst v63  }
0x113: {  	s31 =	simm.s32 $0xB000  }
0x114: {  	[tilespmem:s31], [sflag:$0x1] =	stream.indirect_vreg.gather [hbm4b:s1+s3], $0x80, v3, vm0, $0xb8;
	[tilespmem:$0x1D080] =	vst v63  }
0x115: {  	s31 =	simm.s32 $0xB800  }
0x116: {  	[tilespmem:s31], [sflag:$0x1] =	stream.indirect_vreg.gather [hbm4b:s7+s3], $0x80, v3, vm0, $0xb8;
	[tilespmem:$0x1D080] =	vst v63  }
0x117: {  	s31 =	simm.s32 $0xC000  }
0x118: {  	[tilespmem:s31], [sflag:$0x1] =	stream.indirect_vreg.gather [hbm4b:s8+s3], $0x80, v3, vm0, $0xb8;
	[tilespmem:$0x1D080] =	vst v63  }
0x119: {  	s31 =	simm.s32 $0xC800  }
0x11a: {  	[tilespmem:s31], [sflag:$0x1] =	stream.indirect_vreg.gather [hbm4b:s9+s3], $0x80, v3, vm0, $0xb8;
	[tilespmem:$0x1D080] =	vst v63  }
0x11b: {  	v3 =	vld.msk [tilespmem:s28+$0xFFFFFF80], $0xff;
	_ =	sdelay $0x4  }
0x11c: {  	v63 =	vshll.u32 v3, $0x3  }
0x11d: {  	v3 =	vand.u32 $0x7, v3;
	v4 =	vand.u32 $0xFFFFFFC0, v63  }
0x11e: {  	v3 =	vor.u32 v3, v4  }
0x11f: {  	v3 =	vperm.xlane v3, v0;
	_ =	sdelay $0x1  }
0x120: {  	v3 =	vadd.s32 v1, v3;
	_ =	sdelay $0x3  }
0x121: {  	s31 =	simm.s32 $0xD000  }
0x122: {  	[tilespmem:s31], [sflag:$0x1] =	stream.indirect_vreg.gather [hbm4b:s1+s3], $0x80, v3, vm0, $0xb8;
	[tilespmem:$0x1D080] =	vst v63  }
0x123: {  	s31 =	simm.s32 $0xD800  }
0x124: {  	[tilespmem:s31], [sflag:$0x1] =	stream.indirect_vreg.gather [hbm4b:s7+s3], $0x80, v3, vm0, $0xb8;
	[tilespmem:$0x1D080] =	vst v63  }
0x125: {  	s31 =	simm.s32 $0xE000  }
0x126: {  	[tilespmem:s31], [sflag:$0x1] =	stream.indirect_vreg.gather [hbm4b:s8+s3], $0x80, v3, vm0, $0xb8;
	[tilespmem:$0x1D080] =	vst v63  }
0x127: {  	s31 =	simm.s32 $0xE800  }
0x128: {  	[tilespmem:s31], [sflag:$0x1] =	stream.indirect_vreg.gather [hbm4b:s9+s3], $0x80, v3, vm0, $0xb8;
	[tilespmem:$0x1D080] =	vst v63  }
0x129: {  	s31 =	simm.s32 $0xF800  }
.LBB2_4:
.Ltmp3:
0x12a: {  	(pc) =	sbr.rel @p0 .LBB2_6-.Ltmp3, $4  }
0x12b: {  	_ =	swait.ge [sflag:s24], $0xE000  }
0x12c: {  	[sflag:s24] =	ssyncset.done $0x0  }
0x12d: {  	s30 =	sadd.s32 $0x1C00, s30;
	[sflag:s24] =	ssyncadd.s32 $0xFFFF2000  }
0x12e: {  	[hbm4b:s30+s3] =	stream.linear.scatter [tilespmem:s18], [sflag:$0x4], $0xE000, $0x38;
	[tilespmem:$0x1D080] =	vst v63  }
0x12f: {  	_ =	swait.ge [sflag:s26], $0xE000  }
0x130: {  	[sflag:s26] =	ssyncset.done $0x0  }
0x131: {  	[sflag:s26] =	ssyncadd.s32 $0xFFFF2000  }
0x132: {  	v3 =	vld [tilespmem:s28+$0xFFFFFFD0];
	_ =	sdelay $0x4  }
0x133: {  	v4 =	vshll.u32 v3, $0x3  }
0x134: {  	v3 =	vand.u32 $0x7, v3;
	v4 =	vand.u32 $0xFFFFFFC0, v4  }
0x135: {  	v3 =	vor.u32 v3, v4  }
0x136: {  	v4 =	vperm.xlane v3, v0;
	_ =	sdelay $0x1  }
0x137: {  	v4 =	vadd.s32 v1, v4;
	_ =	sdelay $0x4  }
0x138: {  	[tilespmem:s18], [sflag:$0x2] =	stream.indirect_vreg.gather [hbm4b:s1+s3], $0x80, v4, vm0, $0xb8;
	[tilespmem:$0x1D080] =	vst v63  }
0x139: {  	v3 =	vperm.xlane v3, v2  }
0x13a: {  	[tilespmem:s31], [sflag:$0x2] =	stream.indirect_vreg.gather [hbm4b:s7+s3], $0x80, v4, vm0, $0xb8;
	[tilespmem:$0x1D080] =	vst v63  }
0x13b: {  	s30 =	simm.s32 $0x10000;
	v3 =	vadd.s32 v1, v3  }
0x13c: {  	[tilespmem:s30], [sflag:$0x2] =	stream.indirect_vreg.gather [hbm4b:s8+s3], $0x80, v4, vm0, $0xb8;
	[tilespmem:$0x1D080] =	vst v63  }
0x13d: {  	s30 =	simm.s32 $0x10800  }
0x13e: {  	[tilespmem:s30], [sflag:$0x2] =	stream.indirect_vreg.gather [hbm4b:s9+s3], $0x80, v4, vm0, $0xb8;
	[tilespmem:$0x1D080] =	vst v63  }
0x13f: {  	s30 =	simm.s32 $0x11000  }
0x140: {  	[tilespmem:s30], [sflag:$0x2] =	stream.indirect_vreg.gather [hbm4b:s1+s3], $0x80, v3, vm0, $0xb8;
	[tilespmem:$0x1D080] =	vst v63  }
0x141: {  	s30 =	simm.s32 $0x11800  }
0x142: {  	[tilespmem:s30], [sflag:$0x2] =	stream.indirect_vreg.gather [hbm4b:s7+s3], $0x80, v3, vm0, $0xb8;
	[tilespmem:$0x1D080] =	vst v63  }
0x143: {  	s30 =	simm.s32 $0x12000  }
0x144: {  	[tilespmem:s30], [sflag:$0x2] =	stream.indirect_vreg.gather [hbm4b:s8+s3], $0x80, v3, vm0, $0xb8;
	[tilespmem:$0x1D080] =	vst v63  }
0x145: {  	s30 =	simm.s32 $0x12800  }
0x146: {  	[tilespmem:s30], [sflag:$0x2] =	stream.indirect_vreg.gather [hbm4b:s9+s3], $0x80, v3, vm0, $0xb8;
	[tilespmem:$0x1D080] =	vst v63  }
0x147: {  	v3 =	vld [tilespmem:s28+$0xFFFFFFE0];
	_ =	sdelay $0x4  }
0x148: {  	v61 =	vshll.u32 v3, $0x3  }
0x149: {  	v3 =	vand.u32 $0x7, v3;
	v4 =	vand.u32 $0xFFFFFFC0, v61  }
0x14a: {  	v3 =	vor.u32 v3, v4  }
0x14b: {  	v4 =	vperm.xlane v3, v0;
	_ =	sdelay $0x1  }
0x14c: {  	v4 =	vadd.s32 v1, v4;
	_ =	sdelay $0x3  }
0x14d: {  	s30 =	simm.s32 $0x13000  }
0x14e: {  	[tilespmem:s30], [sflag:$0x2] =	stream.indirect_vreg.gather [hbm4b:s1+s3], $0x80, v4, vm0, $0xb8;
	[tilespmem:$0x1D080] =	vst v63  }
0x14f: {  	v3 =	vperm.xlane v3, v2;
	s30 =	simm.s32 $0x13800  }
0x150: {  	[tilespmem:s30], [sflag:$0x2] =	stream.indirect_vreg.gather [hbm4b:s7+s3], $0x80, v4, vm0, $0xb8;
	[tilespmem:$0x1D080] =	vst v63  }
0x151: {  	v3 =	vadd.s32 v1, v3;
	s30 =	simm.s32 $0x14000  }
0x152: {  	[tilespmem:s30], [sflag:$0x2] =	stream.indirect_vreg.gather [hbm4b:s8+s3], $0x80, v4, vm0, $0xb8;
	[tilespmem:$0x1D080] =	vst v63  }
0x153: {  	s30 =	simm.s32 $0x14800  }
0x154: {  	[tilespmem:s30], [sflag:$0x2] =	stream.indirect_vreg.gather [hbm4b:s9+s3], $0x80, v4, vm0, $0xb8;
	[tilespmem:$0x1D080] =	vst v63  }
0x155: {  	s30 =	simm.s32 $0x15000  }
0x156: {  	[tilespmem:s30], [sflag:$0x2] =	stream.indirect_vreg.gather [hbm4b:s1+s3], $0x80, v3, vm0, $0xb8;
	[tilespmem:$0x1D080] =	vst v63  }
0x157: {  	_ = 	snop  }
0x158: {  	[tilespmem:s0], [sflag:$0x2] =	stream.indirect_vreg.gather [hbm4b:s7+s3], $0x80, v3, vm0, $0xb8;
	[tilespmem:$0x1D080] =	vst v63  }
0x159: {  	_ = 	snop  }
0x15a: {  	[tilespmem:s2], [sflag:$0x2] =	stream.indirect_vreg.gather [hbm4b:s8+s3], $0x80, v3, vm0, $0xb8;
	[tilespmem:$0x1D080] =	vst v63  }
0x15b: {  	_ = 	snop  }
0x15c: {  	[tilespmem:s4], [sflag:$0x2] =	stream.indirect_vreg.gather [hbm4b:s9+s3], $0x80, v3, vm0, $0xb8;
	[tilespmem:$0x1D080] =	vst v63  }
0x15d: {  	v3 =	vld [tilespmem:s28+$0xFFFFFFF0];
	_ =	sdelay $0x4  }
0x15e: {  	v62 =	vshll.u32 v3, $0x3  }
0x15f: {  	v3 =	vand.u32 $0x7, v3;
	v4 =	vand.u32 $0xFFFFFFC0, v62  }
0x160: {  	v3 =	vor.u32 v3, v4  }
0x161: {  	v4 =	vperm.xlane v3, v0;
	_ =	sdelay $0x1  }
0x162: {  	v4 =	vadd.s32 v1, v4;
	_ =	sdelay $0x4  }
0x163: {  	[tilespmem:s5], [sflag:$0x2] =	stream.indirect_vreg.gather [hbm4b:s1+s3], $0x80, v4, vm0, $0xb8;
	[tilespmem:$0x1D080] =	vst v63  }
0x164: {  	v3 =	vperm.xlane v3, v2  }
0x165: {  	[tilespmem:s6], [sflag:$0x2] =	stream.indirect_vreg.gather [hbm4b:s7+s3], $0x80, v4, vm0, $0xb8;
	[tilespmem:$0x1D080] =	vst v63  }
0x166: {  	v3 =	vadd.s32 v1, v3  }
0x167: {  	[tilespmem:s12], [sflag:$0x2] =	stream.indirect_vreg.gather [hbm4b:s8+s3], $0x80, v4, vm0, $0xb8;
	[tilespmem:$0x1D080] =	vst v63  }
0x168: {  	_ = 	snop  }
0x169: {  	[tilespmem:s10], [sflag:$0x2] =	stream.indirect_vreg.gather [hbm4b:s9+s3], $0x80, v4, vm0, $0xb8;
	[tilespmem:$0x1D080] =	vst v63  }
0x16a: {  	_ = 	snop  }
0x16b: {  	[tilespmem:s13], [sflag:$0x2] =	stream.indirect_vreg.gather [hbm4b:s1+s3], $0x80, v3, vm0, $0xb8;
	[tilespmem:$0x1D080] =	vst v63  }
0x16c: {  	_ = 	snop  }
0x16d: {  	[tilespmem:s15], [sflag:$0x2] =	stream.indirect_vreg.gather [hbm4b:s7+s3], $0x80, v3, vm0, $0xb8;
	[tilespmem:$0x1D080] =	vst v63  }
0x16e: {  	_ = 	snop  }
0x16f: {  	[tilespmem:s16], [sflag:$0x2] =	stream.indirect_vreg.gather [hbm4b:s8+s3], $0x80, v3, vm0, $0xb8;
	[tilespmem:$0x1D080] =	vst v63  }
0x170: {  	_ = 	snop  }
0x171: {  	[tilespmem:s17], [sflag:$0x2] =	stream.indirect_vreg.gather [hbm4b:s9+s3], $0x80, v3, vm0, $0xb8;
	[tilespmem:$0x1D080] =	vst v63  }
0x172: {  	v3 =	vld.msk [tilespmem:s28+$0x0], $0xff;
	_ =	sdelay $0x4  }
0x173: {  	v63 =	vshll.u32 v3, $0x3  }
0x174: {  	v3 =	vand.u32 $0x7, v3;
	v4 =	vand.u32 $0xFFFFFFC0, v63  }
0x175: {  	v3 =	vor.u32 v3, v4  }
0x176: {  	v3 =	vperm.xlane v3, v0;
	_ =	sdelay $0x1  }
0x177: {  	v3 =	vadd.s32 v1, v3;
	_ =	sdelay $0x4  }
0x178: {  	[tilespmem:s19], [sflag:$0x2] =	stream.indirect_vreg.gather [hbm4b:s1+s3], $0x80, v3, vm0, $0xb8;
	[tilespmem:$0x1D080] =	vst v63  }
0x179: {  	_ = 	snop  }
0x17a: {  	[tilespmem:s20], [sflag:$0x2] =	stream.indirect_vreg.gather [hbm4b:s7+s3], $0x80, v3, vm0, $0xb8;
	[tilespmem:$0x1D080] =	vst v63  }
.Ltmp4:
0x17b: {  	_ = 	snop;
	(pc) =	sbr.rel .LBB2_2-.Ltmp4, $4  }
0x17c: {  	_ = 	snop  }
0x17d: {  	[tilespmem:s21], [sflag:$0x2] =	stream.indirect_vreg.gather [hbm4b:s8+s3], $0x80, v3, vm0, $0xb8;
	[tilespmem:$0x1D080] =	vst v63  }
0x17e: {  	s29 =	sadd.s32 $0x3800, s29;
	s28 =	sadd.s32 $0x100, s28  }
0x17f: {  	[tilespmem:s22], [sflag:$0x2] =	stream.indirect_vreg.gather [hbm4b:s9+s3], $0x80, v3, vm0, $0xb8;
	[tilespmem:$0x1D080] =	vst v63  }
.LBB2_7:
0x180: {  	_ =	sfence.sel $0x180000  }
0x181: {  	[bflag:$0x0] =	sbarrier.arrive $0xFFFF  }
0x182: {  	_ =	strace $0x90000047  }
0x183: {  	s0 =	stileid.u32;
	[bflag:$0x2] =	sbarrier.arrive $0xFFFF  }
0x184: {  	p0 =	sne.s32 s0, $0x0;
	s0 =	rddreg [dreg:$0x4]  }
0x185: {  	s0 =	sadd.s32 @!p0 $0x100000, s0  }
0x186: {  	[sflag:s0] =	ssyncadd.tile.s32 @!p0 $0x1;
	_ =	shalt  }
.Lfunc_end2:
_tile_overlayer_lowered:
.L_overlay_start_2:
0x187: {  	(tag) =	ssettag $0x2  }
0x188: {  	s0 =	rddreg [dreg:$0x0];
	s2 =	stileid.u32  }
0x189: {  	s1 =	rddreg [dreg:$0x1];
	p0 =	sne.s32 s2, $0x0  }
0x18a: {  	s3 =	rddreg [dreg:$0x2];
	[bflag:$0x3] =	sbarrier.arrive $0xFFFF;
	s2 =	simm.s32 @!p0 $0x1C05  }
0x18b: {  	[timem:s3], [sflag:s2] =	dma.local @!p0 [hbm:s0], s1  }
0x18c: {  	s0 =	simm.s32 @!p0 $0x5  }
0x18d: {  	_ =	swait.ge @!p0 [sflag:s0], s1  }
0x18e: {  	s1 =	ssub.s32 @!p0 $0x0, s1;
	[sflag:s0] =	ssyncset.done @!p0 $0x0  }
0x18f: {  	[sflag:s0] =	ssyncadd.s32 @!p0 s1  }
0x190: {  	[bflag:$0x3] =	sbarrier.arrive $0xFFFF  }
0x191: {  	_ =	shalt  }

// kernel: sparse-core-data-format-call.cloned.1.call-start
scs
called_computation_lowered:
.L_overlay_start_0:
0x0: {  	s2 =	sld [smem:$0x3FD9]  }
0x1: {  	s3 =	sld [smem:$0x3FFE];
	_ =	sdelay $0x1  }
0x2: {  	s1 =	srdreg.scid  }
0x3: {  	s0 =	sand.u32 $0x1, s1  }
0x4: {  	s15 =	sshll.u32 s0, $0xA;
	s2 =	sadd.s32 s3, s2  }
0x5: {  	s2 =	sadd.s32 s2, s15  }
0x6: {  	[smem:$0x3FC5] =	sst s2  }
0x7: {  	_ = 	snop  }
0x8: {  	s2 =	sld [smem:$0x3FD0];
	_ =	sdelay $0x2  }
0x9: {  	s16 =	simm.s32 $0xA;
	s4 =	simm.s32 $0x10  }
0xa: {  	[smem:s4], [sflag:s16] =	dma.local [hbm:s2], $0x1  }
0xb: {  	_ =	swait.eq [sflag:s16], $0x1  }
0xc: {  	[sflag:s16] =	ssyncset.done $0x0  }
0xd: {  	[sflag:s16] =	ssyncadd.s32 $0xFFFFFFFF  }
0xe: {  	s17 =	sld [smem:$0x10];
	(tm) =	ssettm $0x1  }
0xf: {  	s18 =	sld [smem:$0x3FFB];
	_ =	sdelay $0x3  }
0x10: {  	_ =	strace s18  }
0x11: {  	s3 =	sld [smem:$0x3FFC];
	_ =	sdelay $0x3  }
0x12: {  	_ =	strace s3  }
0x13: {  	s3 =	sld [smem:$0x3FFD];
	_ =	sdelay $0x3  }
0x14: {  	_ =	strace s3  }
0x15: {  	_ =	strace $0x8FFFFFFF  }
0x16: {  	s19 =	sld [smem:$0x3FDB];
	_ =	sdelay $0x1  }
0x17: {  	s20 =	simm.s32 $_scs_section_size  }
0x18: {  	s5 =	simm.s32 $_size__tile_overlayer_lowered;
	s6 =	simm.s32 $_tile_overlayer_lowered  }
0x19: {  	s23 =	simm.s32 $0x1BFF;
	s22 =	sshll.u32 s6, $0x1;
	s3 =	sadd.s32 s20, s19  }
0x1a: {  	s7 =	simm.s32 $0x0;
	s21 =	sshll.u32 s5, $0x1;
	s5 =	sadd.s32 s22, s3  }
0x1b: {  	[timem:s7], [sflag:s23] =	dma.local [hbm:s5], s21  }
0x1c: {  	_ =	swait.ge [sflag:s23], s21  }
0x1d: {  	s4 =	ssub.s32 $0x0, s21;
	[sflag:s23] =	ssyncset.done $0x0  }
0x1e: {  	[sflag:s23] =	ssyncadd.s32 s4;
	_ =	sdelay $0x1  }
0x1f: {  	s24 =	simm.s32 $0x1B8B  }
0x20: {  	_ =	swait.ge [sflag:s24], $0x1  }
0x21: {  	[sflag:s24] =	ssyncset.done $0x0  }
0x22: {  	s26 =	simm.s32 $0x1B8E;
	s25 =	sld [smem:$0x3FFE];
	[sflag:s24] =	ssyncadd.s32 $0xFFFFFFFF  }
0x23: {  	s27 =	simm.s32 $execute0_lowered;
	[smem:$0x3FD2] =	sst s26  }
0x24: {  	s5 =	sshll.u32 s27, $0x1;
	_ =	strace $0x80000049;
	[dreg:$0x1] =	wrdreg $0xFFFFFFFF  }
0x25: {  	s28 =	simm.s32 $_size_execute0_lowered;
	s3 =	sadd.s32 s3, s5;
	[dreg:$0x0] =	wrdreg $0x0  }
0x26: {  	s5 =	sshll.u32 s28, $0x1;
	[dreg:$0x2] =	wrdreg s3  }
0x27: {  	[dreg:$0x3] =	wrdreg s5  }
0x28: {  	[dreg:$0x4] =	wrdreg $0xC0  }
0x29: {  	_ =	task [dreg:s7], $0x5FFFF  }
0x2a: {  	[dreg:$0x1] =	wrdreg $0xFFFFFFFF  }
0x2b: {  	[dreg:$0x0] =	wrdreg $0x60  }
0x2c: {  	[dreg:$0x2] =	wrdreg s25  }
0x2d: {  	[dreg:$0x3] =	wrdreg s17  }
0x2e: {  	[dreg:$0x4] =	wrdreg $0x9  }
0x2f: {  	_ =	task.clear_ibuf [dreg:s7], $0x5FFFF;
	_ =	strace $0x90000049  }
0x30: {  	s29 =	simm.s32 $0x9;
	_ =	strace $0x8000004B  }
0x31: {  	_ =	swait.ge [sflag:s29], $0x1  }
0x32: {  	[sflag:s29] =	ssyncadd.s32 $0xFFFFFFFF  }
0x33: {  	_ =	strace $0x9000004B  }
0x34: {  	_ =	sfence  }
0x35: {  	s30 =	sld [smem:$0x0];
	_ =	sdelay $0x2  }
0x36: {  	s31 =	sshll.u32 s1, $0xD;
	s1 =	sshrl.u32 s1, $0x2  }
0x37: {  	s3 =	sand.u32 $0x4000, s31;
	s1 =	sadd.s32 s1, s30  }
0x38: {  	s0 =	sor.u32 s3, s0;
	s1 =	sshll.u32 s1, $0x11  }
0x39: {  	s0 =	sor.u32 s1, s0  }
0x3a: {  	s0 =	sadd.s32 $0x8F2B, s0  }
0x3b: {  	[sflag:s0] =	ssyncadd.remote.s32 $0x1  }
0x3c: {  	_ =	sfence.sel $0xFFFF  }
0x3d: {  	[dreg:$0x0] =	wrdreg $0xFFFFFFFF;
	(pc) =	sbr.abs _section_cstart, $3  }
0x3e: {  	[dreg:$0x1] =	wrdreg $0xFFFFFFFF  }
0x3f: {  	_ =	task.clear_ibuf [dreg:s7], $0x2FFFF;
	_ =	strace $0x9FFFFFFF  }
0x40: {  	(tm) =	ssettm $0x7FFFFFFF  }
0x41: {  	_ =	shalt  }
tec
execute0_lowered:
.L_overlay_start_1:
0x0: {  	(tag) =	ssettag $0x1  }
0x1: {  	s4 =	rddreg [dreg:$0x0]  }
0x2: {  	s0 =	stileid.u32;
	s2 =	rddreg [dreg:$0x1]  }
0x3: {  	s7 =	srdreg.scid;
	s31 =	simm.s32 $0x2;
	s17 =	simm.s32 $0x0  }
0x4: {  	s9 =	simm.s32 $0x2000;
	s19 =	simm.s32 $0x0;
	s18 =	simm.s32 $0x0  }
0x5: {  	s10 =	simm.s32 $0x0;
	s11 =	simm.s32 $0x0;
	s1 =	sshll.u32 s0, $0x7  }
0x6: {  	s12 =	simm.s32 $0x0;
	s14 =	simm.s32 $0x0;
	s3 =	sand.u32 $0x380, s1  }
0x7: {  	s16 =	simm.s32 $0x0;
	s4 =	sadd.s32 $0x4C00, s4;
	s5 =	ssub.s32 $0x400, s3  }
0x8: {  	s8 =	sshll.u32 s0, $0x4;
	s7 =	sshll.u32 s7, $0x8;
	s6 =	sand.u32 $0x380, s5  }
0x9: {  	s1 =	rddreg [dreg:$0x2];
	p0 =	sne.s32 s6, $0x0;
	s6 =	simm.s32 $0x1  }
.Ltmp0:
0xa: {  	s5 =	sshrl.u32 s5, $0xA;
	s6 =	simm.s32 @!p0 $0x0;
	(pc) =	sbr.rel .LBB1_1-.Ltmp0, $4  }
0xb: {  	_ =	strace $0x8000004A;
	s7 =	sor.u32 s8, s7;
	s6 =	sadd.s32 s6, s5  }
0xc: {  	s7 =	sand.u32 $0x180, s7;
	s5 =	simm.s32 $0x1;
	s6 =	smul.u32 $0x62, s6  }
0xd: {  	s15 =	smov.u32 s3;
	s13 =	smov.u32 s7;
	[sflag:s5] =	ssyncpa.u1 $0x0  }
0xe: {  	p0 =	por $0x0, $0x0;
	[sflag:s31] =	ssyncpa.u1 $0x0;
	s8 =	sor.u32 $0x1, s6  }
.LBB1_4:
0xf: {  	s25 =	sshll.u32 s10, $0xA;
	s24 =	sshra.s32 s24, $0x2;
	s26 =	sshll.u32 s12, $0x3  }
0x10: {  	p1 =	sgt.s32 s11, $0x30;
	s27 =	smov.u32 s11;
	s28 =	sshra.s32 s11, $0x1F  }
0x11: {  	p2 =	sgt.s32 s12, $0x380;
	s31 =	sshra.s32 s12, $0x1F;
	s25 =	sand.u32 $0xFFFFE000, s25  }
0x12: {  	s26 =	sand.u32 $0xFFFFFC00, s26;
	s27 =	simm.s32 @!p1 $0x30;
	s28 =	sand.u32 s28, s11  }
0x13: {  	[tilespmem:s22+$0x2040 ss:$0x81] =	vst.msk $0xffff, v4;
	s23 =	sadd.s32 s24, s23;
	s29 =	sadd.s32 s26, s25;
	s25 =	ssub.s32 s27, s28  }
0x14: {  	[tilespmem:s22+$0x2850 ss:$0x81] =	vst.msk $0xffff, v3;
	s27 =	smov.u32 s12;
	s28 =	smov.u32 s10;
	s26 =	sand.u32 s31, s12  }
0x15: {  	[tilespmem:s22+$0x3060 ss:$0x81] =	vst.msk $0xffff, v2;
	s24 =	sshrl.u32 s29, $0xA;
	s30 =	sadd.s32 $0xFFFFFFD0, s25;
	s27 =	simm.s32 @!p2 $0x380  }
0x16: {  	v5 =	vld [tilespmem:s21+$0xFFFFFFD0];
	[tilespmem:s22+$0x0 ss:$0x81] =	vst.msk $0xffff, v1;
	p2 =	sgt.s32 s10, $0x368;
	s29 =	sshra.s32 s10, $0x1F;
	s22 =	ssub.s32 $0x31, s25  }
0x17: {  	v58 =	vld [tilespmem:s21+$0xFFFFFFE0];
	p1 =	sgt.s32 s30, $0x0;
	s28 =	simm.s32 @!p2 $0x368;
	s29 =	sand.u32 s29, s10  }
0x18: {  	v59 =	vld [tilespmem:s21+$0xFFFFFFF0];
	s26 =	ssub.s32 s27, s26;
	s27 =	smulhi.u32 $0x418938, s24;
	s28 =	ssub.s32 s28, s29  }
0x19: {  	v60 =	vld [tilespmem:s21+$0x0];
	s30 =	sadd.s32 $0xFFFFFC80, s26;
	s25 =	ssub.s32 $0x400, s26;
	s22 =	simm.s32 @p1 $0x0  }
0x1a: {  	v61 =	vld [tilespmem:s21+$0x10];
	[tilespmem:s23+$0x3870 ss:$0x81] =	vst.msk $0xffff, v0;
	s29 =	sand.u32 $0x78, s12;
	p2 =	sgt.s32 s30, $0x7F;
	s31 =	sadd.s32 $0xFFFFFC98, s28  }
0x1b: {  	v62 =	vld [tilespmem:s21+$0x20];
	[tilespmem:s23+$0x810 ss:$0x81] =	vst.msk $0xffff, v5;
	s27 =	smul.u32 $0x3E8, s27;
	s30 =	sshll.u32 s10, $0x7;
	s28 =	ssub.s32 $0x3E8, s28  }
0x1c: {  	v63 =	vld [tilespmem:s21+$0xFFFFFFC0];
	[tilespmem:s23+$0x1020 ss:$0x81] =	vst.msk $0xffff, v58;
	s25 =	simm.s32 @p2 $0x0;
	p1 =	sgt.s32 s31, $0x7F;
	s31 =	smul.u32 $0x1F400, s11  }
0x1d: {  	[tilespmem:s23+$0x1830 ss:$0x81] =	vst.msk $0xffff, v59;
	s21 =	sand.u32 $0x380, s30;
	s22 =	smul.u32 s25, s22;
	s28 =	simm.s32 @p1 $0x0  }
0x1e: {  	[tilespmem:s23+$0x2040 ss:$0x81] =	vst.msk $0xffff, v60;
	s21 =	sor.u32 s29, s21;
	s24 =	ssub.s32 s24, s27;
	s29 =	sand.u32 $0x7, s12  }
0x1f: {  	[tilespmem:s23+$0x2850 ss:$0x81] =	vst.msk $0xffff, v61;
	s21 =	sshrl.u32 s21, $0x3;
	s25 =	sadd.s32 s2, s31;
	s22 =	smul.u32 s28, s22  }
0x20: {  	[tilespmem:s23+$0x3060 ss:$0x81] =	vst.msk $0xffff, v62;
	s24 =	sshll.u32 s24, $0x7;
	s30 =	sshll.u32 s29, $0x12;
	s21 =	sadd.s32 s21, s25  }
0x21: {  	[tilespmem:s23+$0x0 ss:$0x81] =	vst.msk $0xffff, v63;
	s31 =	sor.u32 $0x400, s30;
	s21 =	sadd.s32 s24, s21;
	s22 =	sand.u32 $0x3FFFFFFF, s22  }
0x22: {  	[hbm4b:s21+s31] =	stream.strided.scatter [tilespmem:s20], [sflag:$0x2], s22, s9, s31, $0x20;
	[tilespmem:$0x10100] =	vst v63  }
.LBB1_5:
0x23: {  	p1 =	slt.u32 s16, $0x2  }
0x24: {  	p2 =	sgt.s32 @!p1 s19, $0x30  }
0x25: {  	s20 =	smov.u32 s19;
	s21 =	sshra.s32 @!p1 s19, $0x1F;
	p2 =	por !p2, p1  }
0x26: {  	s19 =	sand.u32 @!p1 s21, s19;
	s20 =	simm.s32 @p2 $0x30  }
0x27: {  	p3 =	sgt.s32 @!p1 s17, $0x368;
	s19 =	ssub.s32 @!p1 s20, s19  }
0x28: {  	p4 =	sgt.s32 @!p1 s18, $0x380;
	s22 =	sshra.s32 @!p1 s18, $0x1F;
	s20 =	sadd.s32 @!p1 $0xFFFFFFD0, s19  }
0x29: {  	s21 =	smov.u32 s17;
	p2 =	sgt.s32 @!p1 s20, $0x0;
	s20 =	sshra.s32 @!p1 s17, $0x1F  }
0x2a: {  	p4 =	por !p4, p1;
	s17 =	sand.u32 @!p1 s20, s17;
	s20 =	smov.u32 s18  }
0x2b: {  	p3 =	por !p3, p1;
	s18 =	sand.u32 @!p1 s22, s18;
	s20 =	simm.s32 @p4 $0x380  }
0x2c: {  	s21 =	simm.s32 @p3 $0x368;
	s19 =	ssub.s32 @!p1 $0x31, s19;
	s18 =	ssub.s32 @!p1 s20, s18  }
0x2d: {  	p2 =	por !p2, p1;
	s17 =	ssub.s32 @!p1 s21, s17;
	s21 =	sadd.s32 @!p1 $0xFFFFFC80, s18  }
0x2e: {  	s19 =	simm.s32 @!p2 $0x0;
	p3 =	sgt.s32 @!p1 s21, $0x7F  }
0x2f: {  	s20 =	sadd.s32 @!p1 $0xFFFFFC98, s17;
	s18 =	ssub.s32 @!p1 $0x400, s18;
	p3 =	por !p3, p1  }
0x30: {  	p2 =	sgt.s32 @!p1 s20, $0x7F;
	s20 =	sadd.s32 $0x200, s13;
	s18 =	simm.s32 @!p3 $0x0  }
0x31: {  	p3 =	sgt.s32 s20, $0x3E7;
	s18 =	smul.u32 @!p1 s18, s19;
	s19 =	simm.s32 $0x1  }
0x32: {  	s17 =	ssub.s32 @!p1 $0x3E8, s17;
	p2 =	por !p2, p1;
	s19 =	simm.s32 @!p3 $0x0  }
0x33: {  	s22 =	smov.u32 s15;
	s17 =	simm.s32 @!p2 $0x0;
	s21 =	sadd.s32 s19, s14  }
0x34: {  	s17 =	smul.u32 @!p1 s17, s18;
	s18 =	sadd.s32 $0x400, s15;
	p2 =	sgt.s32 s21, $0x30  }
0x35: {  	p0 =	por !p0, !p0;
	s23 =	simm.s32 @!p1 $0x2;
	s22 =	smov.u32 @p2 s18  }
0x36: {  	s20 =	smov.u32 @p3 s7;
	s21 =	simm.s32 @p2 $0x0;
	p2 =	sgt.s32 s22, $0x3FF  }
0x37: {  	s19 =	smov.u32 s11;
	s22 =	smov.u32 @p2 s3;
	p2 =	sne.s32 s16, s8  }
.Ltmp1:
0x38: {  	s11 =	smov.u32 s14;
	s17 =	sand.u32 @!p1 $0x3FFFFFFF, s17;
	(pc) =	sbr.rel @!p2 .LBB1_6-.Ltmp1, $4  }
0x39: {  	s18 =	smov.u32 s12;
	s12 =	smov.u32 s15;
	_ =	swait.ge @!p1 [sflag:s23], s17  }
0x3a: {  	s24 =	ssub.s32 @!p1 $0x0, s17;
	s17 =	smov.u32 s10;
	s10 =	smov.u32 s13  }
0x3b: {  	s13 =	smov.u32 s20;
	s14 =	smov.u32 s21;
	[sflag:s23] =	ssyncset.done @!p1 $0x0  }
0x3c: {  	s16 =	sadd.s32 $0x1, s16;
	[sflag:s23] =	ssyncadd.s32 @!p1 s24;
	s15 =	smov.u32 s22  }
.LBB1_1:
0x3d: {  	p1 =	sge.u32 s16, s6  }
0x3e: {  	s20 =	sshll.u32 @!p1 s14, $0xA  }
0x3f: {  	s21 =	sshll.u32 @!p1 s13, $0x3;
	s20 =	sand.u32 @!p1 $0xFFFFE000, s20  }
0x40: {  	s20 =	sadd.s32 @!p1 s20, s21  }
0x41: {  	s20 =	sshrl.u32 @!p1 s20, $0xA  }
0x42: {  	s21 =	smulhi.u32 @!p1 $0x4924925, s20  }
0x43: {  	s22 =	sshll.u32 @!p1 s14, $0x7;
	s24 =	smul.u32 @!p1 $0x1C00, s15  }
0x44: {  	s23 =	sand.u32 @!p1 $0x78, s13;
	s22 =	sand.u32 @!p1 $0x380, s22;
	s21 =	smul.u32 @!p1 $0x38, s21  }
0x45: {  	s31 =	sadd.s32 $0xFFFFFFFF, s16;
	s22 =	sor.u32 @!p1 s23, s22;
	s23 =	sadd.s32 @!p1 s4, s24  }
0x46: {  	s22 =	sshrl.u32 @!p1 s22, $0x3;
	s20 =	ssub.s32 @!p1 s20, s21;
	s21 =	sxor.u32 @!p1 $0xFFFFFFFF, s16  }
0x47: {  	s22 =	sadd.s32 @!p1 s22, s23;
	s23 =	sand.u32 @!p1 $0x7, s13;
	s21 =	sshll.u32 @!p1 s21, $0xE  }
0x48: {  	s23 =	sshll.u32 @!p1 s23, $0x12;
	s20 =	sshll.u32 @!p1 s20, $0x7;
	s21 =	sand.u32 @!p1 $0x4000, s21  }
0x49: {  	s20 =	sadd.s32 @!p1 s20, s22;
	s22 =	sor.u32 @!p1 $0x80, s23;
	s23 =	simm.s32 @!p1 $0xE000  }
0x4a: {  	[tilespmem:s21], [sflag:$0x1] =	stream.strided.gather @!p1 [hbm4b:s20+s22], $0x4000, s23, s22, $0x38;
	[tilespmem:$0x10100] =	vst v63  }
0x4b: {  	p1 =	sge.u32 s31, s6  }
.Ltmp2:
0x4c: {  	_ = 	snop;
	(pc) =	sbr.rel @p1 .LBB1_5-.Ltmp2, $1  }
0x4d: {  	_ =	sdelay $0x3  }
0x4e: {  	s20 =	simm.s32 $0x1  }
0x4f: {  	_ =	swait.ge [sflag:s5], $0x4000;
	s20 =	simm.s32 @!p0 $0x0  }
0x50: {  	[sflag:s5] =	ssyncset.done $0x0;
	s21 =	sshll.u32 s20, $0xE  }
0x51: {  	[sflag:s5] =	ssyncadd.s32 $0xFFFFC000;
	s21 =	sor.u32 $0x40, s21  }
0x52: {  	s20 =	smul.u32 $0x10200, s20;
	v0 =	vld [tilespmem:s21+$0x30]  }
0x53: {  	v1 =	vld [tilespmem:s21+$0xFFFFFFD0]  }
0x54: {  	s20 =	sshrl.u32 s20, $0x2;
	v5 =	vld [tilespmem:s21+$0xFFFFFFE0]  }
0x55: {  	v6 =	vld [tilespmem:s21+$0xFFFFFFF0];
	s23 =	sor.u32 $0x8000, s20  }
0x56: {  	s31 =	sand.u32 $0x1, s16;
	v4 =	vld [tilespmem:s21+$0x0];
	s22 =	sadd.s32 $0x0, s23  }
0x57: {  	v3 =	vld [tilespmem:s21+$0x10];
	s20 =	smul.u32 $0x10200, s31;
	[tilespmem:s22+$0x3870 ss:$0x81] =	vst.msk $0xffff, v0  }
0x58: {  	v2 =	vld [tilespmem:s21+$0x20];
	[tilespmem:s22+$0x810 ss:$0x81] =	vst.msk $0xffff, v1  }
0x59: {  	s20 =	sshrl.u32 s20, $0x2;
	v1 =	vld [tilespmem:s21+$0xFFFFFFC0];
	[tilespmem:s22+$0x1020 ss:$0x81] =	vst.msk $0xffff, v5;
	s21 =	sadd.s32 $0x80, s21  }
0x5a: {  	s24 =	simm.s32 $0x4;
	s25 =	simm.s32 $0x8;
	s20 =	sor.u32 $0x8000, s20;
	[tilespmem:s22+$0x1830 ss:$0x81] =	vst.msk $0xffff, v6;
	v0 =	vld [tilespmem:s21+$0x30]  }
.LBB1_3:
0x5b: {  	p1 =	sne.s32 s25, $0x1FC;
	v5 =	vld [tilespmem:s21+$0xFFFFFFD0];
	[tilespmem:s22+$0x2040 ss:$0x81] =	vst.msk $0xffff, v4  }
0x5c: {  	v6 =	vld [tilespmem:s21+$0xFFFFFFE0];
	[tilespmem:s22+$0x2850 ss:$0x81] =	vst.msk $0xffff, v3  }
0x5d: {  	s26 =	sshra.s32 s24, $0x2;
	s24 =	smov.u32 s25;
	v7 =	vld [tilespmem:s21+$0xFFFFFFF0];
	[tilespmem:s22+$0x3060 ss:$0x81] =	vst.msk $0xffff, v2  }
.Ltmp3:
0x5e: {  	v4 =	vld [tilespmem:s21+$0x0];
	[tilespmem:s22+$0x0 ss:$0x81] =	vst.msk $0xffff, v1;
	s22 =	sadd.s32 s26, s23;
	(pc) =	sbr.rel @p1 .LBB1_3-.Ltmp3, $4  }
0x5f: {  	v3 =	vld [tilespmem:s21+$0x10];
	[tilespmem:s22+$0x3870 ss:$0x81] =	vst.msk $0xffff, v0  }
0x60: {  	[tilespmem:s22+$0x810 ss:$0x81] =	vst.msk $0xffff, v5;
	v2 =	vld [tilespmem:s21+$0x20]  }
0x61: {  	v1 =	vld [tilespmem:s21+$0xFFFFFFC0];
	[tilespmem:s22+$0x1020 ss:$0x81] =	vst.msk $0xffff, v6;
	s21 =	sadd.s32 $0x80, s21  }
0x62: {  	s25 =	sadd.s32 $0x4, s25;
	v0 =	vld [tilespmem:s21+$0x30];
	[tilespmem:s22+$0x1830 ss:$0x81] =	vst.msk $0xffff, v7  }
.Ltmp4:
0x63: {  	_ = 	snop;
	(pc) =	sbr.rel .LBB1_4-.Ltmp4, $1  }
0x64: {  	_ =	sdelay $0x3  }
.LBB1_6:
0x65: {  	_ =	sfence.sel $0x180000  }
0x66: {  	s2 =	simm.s32 $0x1;
	[bflag:$0x0] =	sbarrier.arrive $0xFFFF  }
0x67: {  	s31 =	simm.s32 $0x2;
	[sflag:s2] =	ssyncpa.u1 $0x1  }
0x68: {  	[sflag:s31] =	ssyncpa.u1 $0x1  }
0x69: {  	p0 =	sne.s32 s0, $0x0;
	_ =	strace $0x9000004A  }
0x6a: {  	s0 =	sadd.s32 @!p0 $0x100000, s1;
	[bflag:$0x2] =	sbarrier.arrive $0xFFFF  }
0x6b: {  	[sflag:s0] =	ssyncadd.tile.s32 @!p0 $0x1;
	_ =	shalt  }
.Lfunc_end1:
_tile_overlayer_lowered:
.L_overlay_start_2:
0x6c: {  	(tag) =	ssettag $0x2  }
0x6d: {  	s0 =	rddreg [dreg:$0x0];
	s2 =	stileid.u32  }
0x6e: {  	s1 =	rddreg [dreg:$0x1];
	p0 =	sne.s32 s2, $0x0  }
0x6f: {  	s3 =	rddreg [dreg:$0x2];
	[bflag:$0x3] =	sbarrier.arrive $0xFFFF;
	s2 =	simm.s32 @!p0 $0x1C01  }
0x70: {  	[timem:s3], [sflag:s2] =	dma.local @!p0 [hbm:s0], s1  }
0x71: {  	s0 =	simm.s32 @!p0 $0x1  }
0x72: {  	_ =	swait.ge @!p0 [sflag:s0], s1  }
0x73: {  	s1 =	ssub.s32 @!p0 $0x0, s1;
	[sflag:s0] =	ssyncset.done @!p0 $0x0  }
0x74: {  	[sflag:s0] =	ssyncadd.s32 @!p0 s1  }
0x75: {  	[bflag:$0x3] =	sbarrier.arrive $0xFFFF  }
0x76: {  	_ =	shalt  }

</sc_bundles>
